<compile_context>
chip_gen: v7x
topology: tpu7x:2x2x1
jax: 0.10.2.dev20260603
libtpu: 0.0.44.dev20260713+nightly
codegen_flags: <defaults>
</compile_context>

<pallas_src>
import functools

import jax
import jax.numpy as jnp
import numpy as np
from jax import lax
from jax.experimental import pallas as pl
from jax.experimental.pallas import tpu as pltpu
from jax.experimental.pallas import tpu_sc as plsc

_N = 10000
_NFEAT = 128
_NHID = 64
_SHID = 32
_P = 3
_E = 320000
_ROWS = _P * _N
_ROWS_ACC = 30016
_MPW = np.array([[1.0], [0.8], [1.2]], dtype=np.float32)

_NC = 2
_NS = 16
_NW = _NC * _NS
_CH = 128
_BI = 4
_NBLK = 60
_NCH = _BI * _NBLK
_EPT = _CH * _NCH
_EPAD = _NW * _EPT
_ZR = _ROWS_ACC // _NS
_TR = _ROWS // _NS



def _mm_body(x_ref, w_ref, out_ref):
    out_ref[0] = jnp.dot(x_ref[...], w_ref[0],
                         preferred_element_type=jnp.float32
                         ).astype(jnp.bfloat16)


def _feature_transform(x, wstack):
    return pl.pallas_call(
        _mm_body,
        grid=(_P,),
        in_specs=[
            pl.BlockSpec((_N, _NFEAT), lambda p: (0, 0)),
            pl.BlockSpec((1, _NFEAT, _NHID), lambda p: (p, 0, 0)),
        ],
        out_specs=pl.BlockSpec((1, _N, _NHID), lambda p: (p, 0, 0)),
        out_shape=jax.ShapeDtypeStruct((_P, _N, _NHID), jnp.bfloat16),
    )(x, wstack)



def _sc_body(table, src, dst, zrows, out, src_v, dst_v, msg_v, tbl_s, acc,
             gsem, ssem, isem):
    cid = lax.axis_index("c")
    sid = lax.axis_index("s")
    wid = cid * _NS + sid

    pltpu.sync_copy(table.at[pl.ds(sid * _TR, _TR)],
                    tbl_s.at[pl.ds(sid * _TR, _TR)])
    pltpu.sync_copy(zrows, acc.at[pl.ds(sid * _ZR, _ZR)])
    pltpu.sync_copy(src.at[wid, pl.ds(0, _BI)], src_v.at[0])
    pltpu.sync_copy(dst.at[wid, pl.ds(0, _BI)], dst_v.at[0])
    plsc.subcore_barrier()

    def issue_g(s, c, m):
        pltpu.async_copy(tbl_s.at[src_v.at[s, c]], msg_v.at[m], gsem)

    def wait_g(s, c, m):
        pltpu.make_async_copy(tbl_s.at[src_v.at[s, c]], msg_v.at[m],
                              gsem).wait()

    def issue_s(s, c, m):
        pltpu.async_copy(msg_v.at[m], acc.at[dst_v.at[s, c]], ssem, add=True)

    def drain_s(s, c, m):
        pltpu.make_async_copy(msg_v.at[m], acc.at[dst_v.at[s, c]],
                              ssem).wait()

    def prefetch(q, s):
        pltpu.async_copy(src.at[wid, pl.ds(q * _BI, _BI)], src_v.at[s], isem)
        pltpu.async_copy(dst.at[wid, pl.ds(q * _BI, _BI)], dst_v.at[s], isem)

    def wait_prefetch(q, s):
        pltpu.make_async_copy(src.at[wid, pl.ds(q * _BI, _BI)], src_v.at[s],
                              isem).wait()
        pltpu.make_async_copy(dst.at[wid, pl.ds(q * _BI, _BI)], dst_v.at[s],
                              isem).wait()

    def block(q, s, first, last):
        wait_g(s, 0, 0)
        if not first:
            drain_s(s, 0, 1)
        if not last:
            prefetch(q + 1, 1 - s)
        issue_g(s, 1, 1)
        issue_s(s, 0, 0)
        for c in (1, 2):
            m = c % 2
            wait_g(s, c, m)
            drain_s(s, c, 1 - m)
            issue_g(s, c + 1, 1 - m)
            issue_s(s, c, m)
        wait_g(s, 3, 1)
        drain_s(s, 3, 0)
        if not last:
            wait_prefetch(q + 1, 1 - s)
            issue_g(1 - s, 0, 0)
        issue_s(s, 3, 1)

    issue_g(0, 0, 0)
    block(0, 0, True, False)

    @pl.loop(1, _NBLK - 1)
    def _mid(q):
        block(q, lax.rem(q, 2), False, False)

    block(_NBLK - 1, (_NBLK - 1) % 2, False, True)
    drain_s((_NBLK - 1) % 2, 3, 1)

    plsc.subcore_barrier()
    pltpu.sync_copy(acc.at[pl.ds(sid * _ZR, _ZR)],
                    out.at[cid, pl.ds(sid * _ZR, _ZR)])


def _segment_sum_sc(table2d, src, dst, zrows):
    mesh = plsc.VectorSubcoreMesh(core_axis_name="c", subcore_axis_name="s",
                                  num_cores=_NC, num_subcores=_NS)
    f = pl.kernel(
        _sc_body,
        out_type=jax.ShapeDtypeStruct((_NC, _ROWS_ACC, _NHID), jnp.bfloat16),
        mesh=mesh,
        scratch_types=[
            pltpu.VMEM((2, _BI, _CH), jnp.int32),
            pltpu.VMEM((2, _BI, _CH), jnp.int32),
            pltpu.VMEM((2, _CH, _NHID), jnp.bfloat16),
            pltpu.VMEM_SHARED((_ROWS, _NHID), jnp.bfloat16),
            pltpu.VMEM_SHARED((_ROWS_ACC, _NHID), jnp.bfloat16),
            pltpu.SemaphoreType.DMA,
            pltpu.SemaphoreType.DMA,
            pltpu.SemaphoreType.DMA,
        ],
        compiler_params=pltpu.CompilerParams(use_tc_tiling_on_sc=False),
    )
    return f(table2d, src, dst, zrows)



_BR = 2000
_NB = _N // _BR


def _bf_body(parts_ref, b_ref, wsem_ref, bsem_ref, q_ref, mpw_ref,
             att1_ref, att2_ref, out_ref, z_scr, asum):
    p = pl.program_id(0)
    i = pl.program_id(1)

    @pl.when(p < _P)
    def _():
        agg = (parts_ref[0].astype(jnp.float32)
               + parts_ref[1].astype(jnp.float32))
        z = jnp.maximum(agg + b_ref[0], 0.0)
        z_scr[p, pl.ds(i * _BR, _BR)] = z
        h = jnp.tanh(jnp.dot(z, wsem_ref[...],
                             preferred_element_type=jnp.float32)
                     + bsem_ref[...])
        s = jnp.dot(h, q_ref[...], preferred_element_type=jnp.float32)

        @pl.when(i == 0)
        def _():
            asum[p] = 0.0

        asum[p] += jnp.sum(s)

    @pl.when(p == _P)
    def _():
        a1 = jnp.stack([asum[0], asum[1], asum[2]]).reshape(_P, 1) * (1.0 / _N)
        aw = a1 * mpw_ref[...]
        e = jnp.exp(aw - jnp.max(aw))
        a2 = e / jnp.sum(e)
        out_ref[0] = (a2[0, 0] * z_scr[0, pl.ds(i * _BR, _BR)]
                      + a2[1, 0] * z_scr[1, pl.ds(i * _BR, _BR)]
                      + a2[2, 0] * z_scr[2, pl.ds(i * _BR, _BR)])

        @pl.when(i == 0)
        def _():
            att1_ref[...] = a1
            att2_ref[...] = a2


def _attention(parts, bstack, w_sem, b_sem, q, mpw):
    return pl.pallas_call(
        _bf_body,
        grid=(_P + 1, _NB),
        in_specs=[
            pl.BlockSpec((_NC, _BR, _NHID),
                         lambda p, i: (0, jnp.minimum(p, _P - 1) * _NB + i, 0)),
            pl.BlockSpec((1, 1, _NHID),
                         lambda p, i: (jnp.minimum(p, _P - 1), 0, 0)),
            pl.BlockSpec((_NHID, _SHID), lambda p, i: (0, 0)),
            pl.BlockSpec((1, _SHID), lambda p, i: (0, 0)),
            pl.BlockSpec((_SHID, 1), lambda p, i: (0, 0)),
            pl.BlockSpec((_P, 1), lambda p, i: (0, 0)),
        ],
        out_specs=[
            pl.BlockSpec((_P, 1), lambda p, i: (0, 0)),
            pl.BlockSpec((_P, 1), lambda p, i: (0, 0)),
            pl.BlockSpec((1, _BR, _NHID), lambda p, i: (0, i, 0)),
        ],
        out_shape=[
            jax.ShapeDtypeStruct((_P, 1), jnp.float32),
            jax.ShapeDtypeStruct((_P, 1), jnp.float32),
            jax.ShapeDtypeStruct((1, _N, _NHID), jnp.float32),
        ],
        scratch_shapes=[
            pltpu.VMEM((_P, _N, _NHID), jnp.float32),
            pltpu.SMEM((_P,), jnp.float32),
        ],
    )(parts, bstack, w_sem, b_sem, q, mpw)



def kernel(x, edge_index_0, edge_index_1, edge_index_2, sparse,
           W0, b0, W1, b1, W2, b2, W_sem, b_sem, q):
    del sparse
    wstack = jnp.stack([W0, W1, W2])
    bstack = jnp.stack([b0, b1, b2]).reshape(_P, 1, _NHID)

    table = _feature_transform(x, wstack).reshape(_ROWS, _NHID)

    src = jnp.concatenate([edge_index_0[0], edge_index_1[0] + _N,
                           edge_index_2[0] + 2 * _N]).astype(jnp.int32)
    dst = jnp.concatenate([edge_index_0[1], edge_index_1[1] + _N,
                           edge_index_2[1] + 2 * _N]).astype(jnp.int32)
    npad = _EPAD - _P * _E
    src = jnp.concatenate([src, jnp.zeros((npad,), jnp.int32)])
    dst = jnp.concatenate([dst, jnp.full((npad,), _ROWS, jnp.int32)])
    src = src.reshape(_NW, _NCH, _CH)
    dst = dst.reshape(_NW, _NCH, _CH)
    zrows = jnp.zeros((_ZR, _NHID), jnp.bfloat16)

    parts = _segment_sum_sc(table, src, dst, zrows)

    att1, att2, out = _attention(parts, bstack, W_sem, b_sem, q,
                                 jnp.asarray(_MPW))
    return (att1, att2, out)

# --- scband reference (transcript-rebuilt; emitter-appended) ---
"""Pipeline reference for scband-hgcn-23021024706962 (READ-ONLY COPY).

The authoritative reference and input builder live on the scoring server;
editing this copy changes nothing except your own understanding.
"""

import jax, jax.numpy as jnp
import numpy as np

N = 10000
NFEAT = 128
NHID = 64
SHID = 32
P = 3
E = 320000
MP_W = jnp.array([[1.0], [0.8], [1.2]], dtype=jnp.float32)


def setup_inputs(seed: int = 0) -> dict:
    key = jax.random.key(seed)
    ks = jax.random.split(key, 16)
    inp = {}
    inp["x"] = jax.random.normal(ks[0], (N, NFEAT), dtype=jnp.float32)
    inp["edge_index_0"] = jax.random.randint(ks[1], (2, E), 0, N, dtype=jnp.int64 if jax.config.jax_enable_x64 else jnp.int32)
    inp["edge_index_1"] = jax.random.randint(ks[2], (2, E), 0, N, dtype=jnp.int64 if jax.config.jax_enable_x64 else jnp.int32)
    inp["edge_index_2"] = jax.random.randint(ks[3], (2, E), 0, N, dtype=jnp.int64 if jax.config.jax_enable_x64 else jnp.int32)
    inp["sparse"] = 1
    s = 1.0 / np.sqrt(NFEAT)
    inp["W0"] = jax.random.uniform(ks[4], (NFEAT, NHID), jnp.float32, -s, s)
    inp["b0"] = jnp.zeros((NHID,), jnp.float32)
    inp["W1"] = jax.random.uniform(ks[5], (NFEAT, NHID), jnp.float32, -s, s)
    inp["b1"] = jnp.zeros((NHID,), jnp.float32)
    inp["W2"] = jax.random.uniform(ks[6], (NFEAT, NHID), jnp.float32, -s, s)
    inp["b2"] = jnp.zeros((NHID,), jnp.float32)
    ss = 1.0 / np.sqrt(NHID)
    inp["W_sem"] = jax.random.uniform(ks[7], (NHID, SHID), jnp.float32, -ss, ss)
    inp["b_sem"] = jnp.zeros((1, SHID), jnp.float32)
    sq = 1.0 / np.sqrt(SHID)
    inp["q"] = jax.random.uniform(ks[8], (SHID, 1), jnp.float32, -sq, sq)
    return inp


def _gcn(x, ei, W, b):
    # sparse GCN layer: act(A @ (x @ W) + b) implemented as gather + segment_sum
    h = x @ W
    msg = jnp.take(h, ei[0], axis=0)
    agg = jax.ops.segment_sum(msg, ei[1], num_segments=x.shape[0])
    return jax.nn.relu(agg + b)


def reference(x, edge_index_0, edge_index_1, edge_index_2, sparse, W0, b0, W1, b1, W2, b2, W_sem, b_sem, q):
    eis = [edge_index_0, edge_index_1, edge_index_2]
    params = [(W0, b0), (W1, b1), (W2, b2)]
    meta_path_x = [_gcn(x, ei, W, b) for ei, (W, b) in zip(eis, params)]
    xc = jnp.concatenate(meta_path_x, axis=0)  # (P*N, NHID)
    # semantic-level attention
    h = jnp.tanh(xc @ W_sem + b_sem)           # (P*N, SHID)
    att = (h @ q).reshape(P, -1)               # (P, N)
    att_1 = att.mean(axis=1, keepdims=True)    # (P, 1)
    att_w = att_1 * MP_W                       # metapath_weight applied
    att_2 = jax.nn.softmax(att_w, axis=0)      # (P, 1)
    emb = xc.reshape(P, -1, NHID)              # (P, N, NHID)
    out = jnp.sum(emb * att_2[:, :, None], axis=0)  # (N, NHID)
    return (att_1, att_2, out[None])

if __name__ == "__main__":
    import jax
    _d = setup_inputs()
    print(jax.jit(kernel)(*tuple(_d.values())))

</pallas_src>

<mosaic_0001>
#map = affine_map<(d0, d1) -> (0, 0)>
#map1 = affine_map<(d0, d1) -> (0, 0, 0)>
module attributes {stable_mosaic.version = 14 : i64} {
  func.func @_sc_body(%arg0: i32, %arg1: i32, %arg2: memref<30000x64xbf16, #tpu.memory_space<hbm>>, %arg3: memref<32x240x128xi32, #tpu.memory_space<hbm>>, %arg4: memref<32x240x128xi32, #tpu.memory_space<hbm>>, %arg5: memref<1876x64xbf16, #tpu.memory_space<hbm>>, %arg6: memref<2x30016x64xbf16, #tpu.memory_space<hbm>>, %arg7: memref<2x4x128xi32, #tpu.memory_space<vmem>>, %arg8: memref<2x4x128xi32, #tpu.memory_space<vmem>>, %arg9: memref<2x128x64xbf16, #tpu.memory_space<vmem>>, %arg10: memref<30000x64xbf16, #tpu.memory_space<vmem_shared>>, %arg11: memref<30016x64xbf16, #tpu.memory_space<vmem_shared>>, %arg12: memref<!tpu.dma_semaphore, #tpu.memory_space<semaphore_mem>>, %arg13: memref<!tpu.dma_semaphore, #tpu.memory_space<semaphore_mem>>, %arg14: memref<!tpu.dma_semaphore, #tpu.memory_space<semaphore_mem>>) attributes {dimension_semantics = [#tpu.dimension_semantics<core_parallel>, #tpu.dimension_semantics<subcore_parallel>], iteration_bounds = array<i64: 2, 16>, scalar_prefetch = 0 : i64, scratch_operands = 8 : i64, tpu.core_type = #tpu.core_type<sc_vector_subcore>, window_params = [{transform_indices = #map}, {transform_indices = #map1}, {transform_indices = #map1}, {transform_indices = #map}, {transform_indices = #map1}]} {
    %mul3A = arith.constant 16 : i32
    %mul3A_0 = arith.muli %arg0, %mul3A : i32
    %add3A = arith.addi %mul3A_0, %arg1 : i32
    %mul3A_1 = arith.constant 1875 : i32
    %mul3A_2 = arith.muli %arg1, %mul3A_1 : i32
    %mul3A_3 = arith.constant 1875 : i32
    %mul3A_4 = arith.muli %arg1, %mul3A_3 : i32
    "tpu.region"() ({
      %run_scoped3A_499 = tpu.sem_alloc : memref<!tpu.dma_semaphore, #tpu.memory_space<semaphore_mem>>
      %dma_start3A_500 = arith.constant 0 : i32
      %dma_start3A_501 = tpu.memref_slice %arg10[%mul3A_4, %dma_start3A_500] : memref<30000x64xbf16, #tpu.memory_space<vmem_shared>> -> memref<1875x64xbf16, #tpu.memory_space<vmem_shared>>
      %dma_start3A_502 = arith.constant 0 : i32
      %dma_start3A_503 = tpu.memref_slice %arg2[%mul3A_2, %dma_start3A_502] : memref<30000x64xbf16, #tpu.memory_space<hbm>> -> memref<1875x64xbf16, #tpu.memory_space<hbm>>
      tpu.enqueue_dma source(%dma_start3A_503 : memref<1875x64xbf16, #tpu.memory_space<hbm>>) target(%dma_start3A_501 : memref<1875x64xbf16, #tpu.memory_space<vmem_shared>>) target_semaphore(%run_scoped3A_499 : memref<!tpu.dma_semaphore, #tpu.memory_space<semaphore_mem>>)
      %dma_wait3A_504 = arith.constant 0 : i32
      %dma_wait3A_505 = tpu.memref_slice %arg10[%mul3A_4, %dma_wait3A_504] : memref<30000x64xbf16, #tpu.memory_space<vmem_shared>> -> memref<1875x64xbf16, #tpu.memory_space<vmem_shared>>
      %dma_wait3A_506 = arith.constant 0 : i32
      %dma_wait3A_507 = tpu.memref_slice %arg2[%mul3A_2, %dma_wait3A_506] : memref<30000x64xbf16, #tpu.memory_space<hbm>> -> memref<1875x64xbf16, #tpu.memory_space<hbm>>
      tpu.wait_dma2 semaphore(%run_scoped3A_499 : memref<!tpu.dma_semaphore, #tpu.memory_space<semaphore_mem>>) src(%dma_wait3A_507 : memref<1875x64xbf16, #tpu.memory_space<hbm>>) dst(%dma_wait3A_505 : memref<1875x64xbf16, #tpu.memory_space<vmem_shared>>)
      tpu.yield
    }) : () -> ()
    %mul3A_5 = arith.constant 1876 : i32
    %mul3A_6 = arith.muli %arg1, %mul3A_5 : i32
    "tpu.region"() ({
      %run_scoped3A_499 = tpu.sem_alloc : memref<!tpu.dma_semaphore, #tpu.memory_space<semaphore_mem>>
      %dma_start3A_500 = arith.constant 0 : i32
      %dma_start3A_501 = tpu.memref_slice %arg11[%mul3A_6, %dma_start3A_500] : memref<30016x64xbf16, #tpu.memory_space<vmem_shared>> -> memref<1876x64xbf16, #tpu.memory_space<vmem_shared>>
      tpu.enqueue_dma source(%arg5 : memref<1876x64xbf16, #tpu.memory_space<hbm>>) target(%dma_start3A_501 : memref<1876x64xbf16, #tpu.memory_space<vmem_shared>>) target_semaphore(%run_scoped3A_499 : memref<!tpu.dma_semaphore, #tpu.memory_space<semaphore_mem>>)
      %dma_wait3A_502 = arith.constant 0 : i32
      %dma_wait3A_503 = tpu.memref_slice %arg11[%mul3A_6, %dma_wait3A_502] : memref<30016x64xbf16, #tpu.memory_space<vmem_shared>> -> memref<1876x64xbf16, #tpu.memory_space<vmem_shared>>
      tpu.wait_dma2 semaphore(%run_scoped3A_499 : memref<!tpu.dma_semaphore, #tpu.memory_space<semaphore_mem>>) src(%arg5 : memref<1876x64xbf16, #tpu.memory_space<hbm>>) dst(%dma_wait3A_503 : memref<1876x64xbf16, #tpu.memory_space<vmem_shared>>)
      tpu.yield
    }) : () -> ()
    %run_scoped3A = arith.constant 0 : i32
    "tpu.region"() ({
      %run_scoped3A_499 = tpu.sem_alloc : memref<!tpu.dma_semaphore, #tpu.memory_space<semaphore_mem>>
      %dma_start3A_500 = arith.constant 0 : i32
      %dma_start3A_501 = arith.constant 0 : i32
      %dma_start3A_502 = tpu.memref_slice %arg7[%run_scoped3A, %dma_start3A_500, %dma_start3A_501] : memref<2x4x128xi32, #tpu.memory_space<vmem>> -> memref<1x4x128xi32, #tpu.memory_space<vmem>>
      %dma_start3A_503 = tpu.memref_squeeze %dma_start3A_502 : memref<1x4x128xi32, #tpu.memory_space<vmem>> -> memref<4x128xi32, #tpu.memory_space<vmem>>
      %dma_start3A_504 = arith.constant 0 : i32
      %dma_start3A_505 = arith.constant 0 : i32
      %dma_start3A_506 = tpu.memref_slice %arg3[%add3A, %dma_start3A_504, %dma_start3A_505] : memref<32x240x128xi32, #tpu.memory_space<hbm>> -> memref<1x4x128xi32, #tpu.memory_space<hbm>>
      %dma_start3A_507 = tpu.memref_squeeze %dma_start3A_506 : memref<1x4x128xi32, #tpu.memory_space<hbm>> -> memref<4x128xi32, #tpu.memory_space<hbm>>
      %dma_start3A_508 = arith.constant 0 : i32
      %dma_start3A_509 = arith.constant 0 : i32
      %dma_start3A_510 = tpu.memref_slice %arg7[%run_scoped3A, %dma_start3A_508, %dma_start3A_509] : memref<2x4x128xi32, #tpu.memory_space<vmem>> -> memref<1x4x128xi32, #tpu.memory_space<vmem>>
      %dma_start3A_511 = tpu.memref_squeeze %dma_start3A_510 : memref<1x4x128xi32, #tpu.memory_space<vmem>> -> memref<4x128xi32, #tpu.memory_space<vmem>>
      %dma_start3A_512 = arith.constant 0 : i32
      %dma_start3A_513 = arith.constant 0 : i32
      %dma_start3A_514 = tpu.memref_slice %arg3[%add3A, %dma_start3A_512, %dma_start3A_513] : memref<32x240x128xi32, #tpu.memory_space<hbm>> -> memref<1x4x128xi32, #tpu.memory_space<hbm>>
      %dma_start3A_515 = tpu.memref_squeeze %dma_start3A_514 : memref<1x4x128xi32, #tpu.memory_space<hbm>> -> memref<4x128xi32, #tpu.memory_space<hbm>>
      tpu.enqueue_dma source(%dma_start3A_515 : memref<4x128xi32, #tpu.memory_space<hbm>>) target(%dma_start3A_511 : memref<4x128xi32, #tpu.memory_space<vmem>>) target_semaphore(%run_scoped3A_499 : memref<!tpu.dma_semaphore, #tpu.memory_space<semaphore_mem>>)
      %dma_wait3A_516 = arith.constant 0 : i32
      %dma_wait3A_517 = arith.constant 0 : i32
      %dma_wait3A_518 = tpu.memref_slice %arg7[%run_scoped3A, %dma_wait3A_516, %dma_wait3A_517] : memref<2x4x128xi32, #tpu.memory_space<vmem>> -> memref<1x4x128xi32, #tpu.memory_space<vmem>>
      %dma_wait3A_519 = tpu.memref_squeeze %dma_wait3A_518 : memref<1x4x128xi32, #tpu.memory_space<vmem>> -> memref<4x128xi32, #tpu.memory_space<vmem>>
      %dma_wait3A_520 = arith.constant 0 : i32
      %dma_wait3A_521 = arith.constant 0 : i32
      %dma_wait3A_522 = tpu.memref_slice %arg3[%add3A, %dma_wait3A_520, %dma_wait3A_521] : memref<32x240x128xi32, #tpu.memory_space<hbm>> -> memref<1x4x128xi32, #tpu.memory_space<hbm>>
      %dma_wait3A_523 = tpu.memref_squeeze %dma_wait3A_522 : memref<1x4x128xi32, #tpu.memory_space<hbm>> -> memref<4x128xi32, #tpu.memory_space<hbm>>
      %dma_wait3A_524 = arith.constant 0 : i32
      %dma_wait3A_525 = arith.constant 0 : i32
      %dma_wait3A_526 = tpu.memref_slice %arg7[%run_scoped3A, %dma_wait3A_524, %dma_wait3A_525] : memref<2x4x128xi32, #tpu.memory_space<vmem>> -> memref<1x4x128xi32, #tpu.memory_space<vmem>>
      %dma_wait3A_527 = tpu.memref_squeeze %dma_wait3A_526 : memref<1x4x128xi32, #tpu.memory_space<vmem>> -> memref<4x128xi32, #tpu.memory_space<vmem>>
      %dma_wait3A_528 = arith.constant 0 : i32
      %dma_wait3A_529 = arith.constant 0 : i32
      %dma_wait3A_530 = tpu.memref_slice %arg3[%add3A, %dma_wait3A_528, %dma_wait3A_529] : memref<32x240x128xi32, #tpu.memory_space<hbm>> -> memref<1x4x128xi32, #tpu.memory_space<hbm>>
      %dma_wait3A_531 = tpu.memref_squeeze %dma_wait3A_530 : memref<1x4x128xi32, #tpu.memory_space<hbm>> -> memref<4x128xi32, #tpu.memory_space<hbm>>
      tpu.wait_dma2 semaphore(%run_scoped3A_499 : memref<!tpu.dma_semaphore, #tpu.memory_space<semaphore_mem>>) src(%dma_wait3A_531 : memref<4x128xi32, #tpu.memory_space<hbm>>) dst(%dma_wait3A_527 : memref<4x128xi32, #tpu.memory_space<vmem>>)
      tpu.yield
    }) : () -> ()
    %run_scoped3A_7 = arith.constant 0 : i32
    "tpu.region"() ({
      %run_scoped3A_499 = tpu.sem_alloc : memref<!tpu.dma_semaphore, #tpu.memory_space<semaphore_mem>>
      %dma_start3A_500 = arith.constant 0 : i32
      %dma_start3A_501 = arith.constant 0 : i32
      %dma_start3A_502 = tpu.memref_slice %arg8[%run_scoped3A_7, %dma_start3A_500, %dma_start3A_501] : memref<2x4x128xi32, #tpu.memory_space<vmem>> -> memref<1x4x128xi32, #tpu.memory_space<vmem>>
      %dma_start3A_503 = tpu.memref_squeeze %dma_start3A_502 : memref<1x4x128xi32, #tpu.memory_space<vmem>> -> memref<4x128xi32, #tpu.memory_space<vmem>>
      %dma_start3A_504 = arith.constant 0 : i32
      %dma_start3A_505 = arith.constant 0 : i32
      %dma_start3A_506 = tpu.memref_slice %arg4[%add3A, %dma_start3A_504, %dma_start3A_505] : memref<32x240x128xi32, #tpu.memory_space<hbm>> -> memref<1x4x128xi32, #tpu.memory_space<hbm>>
      %dma_start3A_507 = tpu.memref_squeeze %dma_start3A_506 : memref<1x4x128xi32, #tpu.memory_space<hbm>> -> memref<4x128xi32, #tpu.memory_space<hbm>>
      %dma_start3A_508 = arith.constant 0 : i32
      %dma_start3A_509 = arith.constant 0 : i32
      %dma_start3A_510 = tpu.memref_slice %arg8[%run_scoped3A_7, %dma_start3A_508, %dma_start3A_509] : memref<2x4x128xi32, #tpu.memory_space<vmem>> -> memref<1x4x128xi32, #tpu.memory_space<vmem>>
      %dma_start3A_511 = tpu.memref_squeeze %dma_start3A_510 : memref<1x4x128xi32, #tpu.memory_space<vmem>> -> memref<4x128xi32, #tpu.memory_space<vmem>>
      %dma_start3A_512 = arith.constant 0 : i32
      %dma_start3A_513 = arith.constant 0 : i32
      %dma_start3A_514 = tpu.memref_slice %arg4[%add3A, %dma_start3A_512, %dma_start3A_513] : memref<32x240x128xi32, #tpu.memory_space<hbm>> -> memref<1x4x128xi32, #tpu.memory_space<hbm>>
      %dma_start3A_515 = tpu.memref_squeeze %dma_start3A_514 : memref<1x4x128xi32, #tpu.memory_space<hbm>> -> memref<4x128xi32, #tpu.memory_space<hbm>>
      tpu.enqueue_dma source(%dma_start3A_515 : memref<4x128xi32, #tpu.memory_space<hbm>>) target(%dma_start3A_511 : memref<4x128xi32, #tpu.memory_space<vmem>>) target_semaphore(%run_scoped3A_499 : memref<!tpu.dma_semaphore, #tpu.memory_space<semaphore_mem>>)
      %dma_wait3A_516 = arith.constant 0 : i32
      %dma_wait3A_517 = arith.constant 0 : i32
      %dma_wait3A_518 = tpu.memref_slice %arg8[%run_scoped3A_7, %dma_wait3A_516, %dma_wait3A_517] : memref<2x4x128xi32, #tpu.memory_space<vmem>> -> memref<1x4x128xi32, #tpu.memory_space<vmem>>
      %dma_wait3A_519 = tpu.memref_squeeze %dma_wait3A_518 : memref<1x4x128xi32, #tpu.memory_space<vmem>> -> memref<4x128xi32, #tpu.memory_space<vmem>>
      %dma_wait3A_520 = arith.constant 0 : i32
      %dma_wait3A_521 = arith.constant 0 : i32
      %dma_wait3A_522 = tpu.memref_slice %arg4[%add3A, %dma_wait3A_520, %dma_wait3A_521] : memref<32x240x128xi32, #tpu.memory_space<hbm>> -> memref<1x4x128xi32, #tpu.memory_space<hbm>>
      %dma_wait3A_523 = tpu.memref_squeeze %dma_wait3A_522 : memref<1x4x128xi32, #tpu.memory_space<hbm>> -> memref<4x128xi32, #tpu.memory_space<hbm>>
      %dma_wait3A_524 = arith.constant 0 : i32
      %dma_wait3A_525 = arith.constant 0 : i32
      %dma_wait3A_526 = tpu.memref_slice %arg8[%run_scoped3A_7, %dma_wait3A_524, %dma_wait3A_525] : memref<2x4x128xi32, #tpu.memory_space<vmem>> -> memref<1x4x128xi32, #tpu.memory_space<vmem>>
      %dma_wait3A_527 = tpu.memref_squeeze %dma_wait3A_526 : memref<1x4x128xi32, #tpu.memory_space<vmem>> -> memref<4x128xi32, #tpu.memory_space<vmem>>
      %dma_wait3A_528 = arith.constant 0 : i32
      %dma_wait3A_529 = arith.constant 0 : i32
      %dma_wait3A_530 = tpu.memref_slice %arg4[%add3A, %dma_wait3A_528, %dma_wait3A_529] : memref<32x240x128xi32, #tpu.memory_space<hbm>> -> memref<1x4x128xi32, #tpu.memory_space<hbm>>
      %dma_wait3A_531 = tpu.memref_squeeze %dma_wait3A_530 : memref<1x4x128xi32, #tpu.memory_space<hbm>> -> memref<4x128xi32, #tpu.memory_space<hbm>>
      tpu.wait_dma2 semaphore(%run_scoped3A_499 : memref<!tpu.dma_semaphore, #tpu.memory_space<semaphore_mem>>) src(%dma_wait3A_531 : memref<4x128xi32, #tpu.memory_space<hbm>>) dst(%dma_wait3A_527 : memref<4x128xi32, #tpu.memory_space<vmem>>)
      tpu.yield
    }) : () -> ()
    %barrier3A = arith.constant 0 : index
    tpu.barrier barrier_id(%barrier3A)
    %dma_start3A = arith.constant 0 : i32
    %dma_start3A_8 = arith.constant 0 : i32
    %dma_start3A_9 = arith.constant 0 : i32
    %dma_start3A_10 = arith.constant 0 : i32
    %dma_start3A_11 = arith.constant 0 : i32
    %dma_start3A_12 = tpu.memref_slice %arg9[%dma_start3A_9, %dma_start3A_10, %dma_start3A_11] : memref<2x128x64xbf16, #tpu.memory_space<vmem>> -> memref<1x128x64xbf16, #tpu.memory_space<vmem>>
    %dma_start3A_13 = tpu.memref_squeeze %dma_start3A_12 : memref<1x128x64xbf16, #tpu.memory_space<vmem>> -> memref<128x64xbf16, #tpu.memory_space<vmem>>
    %dma_start3A_14 = arith.constant 0 : i32
    %dma_start3A_15 = tpu.memref_slice %arg7[%dma_start3A, %dma_start3A_8, %dma_start3A_14] : memref<2x4x128xi32, #tpu.memory_space<vmem>> -> memref<1x1x128xi32, #tpu.memory_space<vmem>>
    %dma_start3A_16 = tpu.memref_squeeze %dma_start3A_15 : memref<1x1x128xi32, #tpu.memory_space<vmem>> -> memref<128xi32, #tpu.memory_space<vmem>>
    %dma_start3A_17 = arith.constant 0 : i32
    %dma_start3A_18 = arith.constant 0 : i32
    %dma_start3A_19 = tpu.memref_slice %arg10[%dma_start3A_17, %dma_start3A_18] : memref<30000x64xbf16, #tpu.memory_space<vmem_shared>> -> memref<30000x64xbf16, #tpu.memory_space<vmem_shared>>
    tpu.enqueue_indirect_dma source(%dma_start3A_19 : memref<30000x64xbf16, #tpu.memory_space<vmem_shared>>) target(%dma_start3A_13 : memref<128x64xbf16, #tpu.memory_space<vmem>>) offsets(%dma_start3A_16 : memref<128xi32, #tpu.memory_space<vmem>>) semaphore(%arg12 : memref<!tpu.dma_semaphore, #tpu.memory_space<semaphore_mem>>)
    %dma_wait3A = arith.constant 0 : i32
    %dma_wait3A_20 = arith.constant 0 : i32
    %dma_wait3A_21 = arith.constant 0 : i32
    %dma_wait3A_22 = arith.constant 0 : i32
    %dma_wait3A_23 = arith.constant 0 : i32
    %dma_wait3A_24 = tpu.memref_slice %arg9[%dma_wait3A_21, %dma_wait3A_22, %dma_wait3A_23] : memref<2x128x64xbf16, #tpu.memory_space<vmem>> -> memref<1x128x64xbf16, #tpu.memory_space<vmem>>
    %dma_wait3A_25 = tpu.memref_squeeze %dma_wait3A_24 : memref<1x128x64xbf16, #tpu.memory_space<vmem>> -> memref<128x64xbf16, #tpu.memory_space<vmem>>
    %dma_wait3A_26 = arith.constant 0 : i32
    %dma_wait3A_27 = tpu.memref_slice %arg7[%dma_wait3A, %dma_wait3A_20, %dma_wait3A_26] : memref<2x4x128xi32, #tpu.memory_space<vmem>> -> memref<1x1x128xi32, #tpu.memory_space<vmem>>
    %dma_wait3A_28 = tpu.memref_squeeze %dma_wait3A_27 : memref<1x1x128xi32, #tpu.memory_space<vmem>> -> memref<128xi32, #tpu.memory_space<vmem>>
    %dma_wait3A_29 = arith.constant 0 : i32
    %dma_wait3A_30 = arith.constant 0 : i32
    %dma_wait3A_31 = tpu.memref_slice %arg10[%dma_wait3A_29, %dma_wait3A_30] : memref<30000x64xbf16, #tpu.memory_space<vmem_shared>> -> memref<30000x64xbf16, #tpu.memory_space<vmem_shared>>
    tpu.wait_indirect_dma semaphore(%arg12 : memref<!tpu.dma_semaphore, #tpu.memory_space<semaphore_mem>>) src(%dma_wait3A_31 : memref<30000x64xbf16, #tpu.memory_space<vmem_shared>>) dst(%dma_wait3A_25 : memref<128x64xbf16, #tpu.memory_space<vmem>>)
    %dma_start3A_32 = arith.constant 1 : i32
    %dma_start3A_33 = arith.constant 0 : i32
    %dma_start3A_34 = arith.constant 0 : i32
    %dma_start3A_35 = tpu.memref_slice %arg7[%dma_start3A_32, %dma_start3A_33, %dma_start3A_34] : memref<2x4x128xi32, #tpu.memory_space<vmem>> -> memref<1x4x128xi32, #tpu.memory_space<vmem>>
    %dma_start3A_36 = tpu.memref_squeeze %dma_start3A_35 : memref<1x4x128xi32, #tpu.memory_space<vmem>> -> memref<4x128xi32, #tpu.memory_space<vmem>>
    %dma_start3A_37 = arith.constant 4 : i32
    %dma_start3A_38 = arith.constant 0 : i32
    %dma_start3A_39 = tpu.memref_slice %arg3[%add3A, %dma_start3A_37, %dma_start3A_38] : memref<32x240x128xi32, #tpu.memory_space<hbm>> -> memref<1x4x128xi32, #tpu.memory_space<hbm>>
    %dma_start3A_40 = tpu.memref_squeeze %dma_start3A_39 : memref<1x4x128xi32, #tpu.memory_space<hbm>> -> memref<4x128xi32, #tpu.memory_space<hbm>>
    %dma_start3A_41 = arith.constant 0 : i32
    %dma_start3A_42 = arith.constant 0 : i32
    %dma_start3A_43 = tpu.memref_slice %arg7[%dma_start3A_32, %dma_start3A_41, %dma_start3A_42] : memref<2x4x128xi32, #tpu.memory_space<vmem>> -> memref<1x4x128xi32, #tpu.memory_space<vmem>>
    %dma_start3A_44 = tpu.memref_squeeze %dma_start3A_43 : memref<1x4x128xi32, #tpu.memory_space<vmem>> -> memref<4x128xi32, #tpu.memory_space<vmem>>
    %dma_start3A_45 = arith.constant 4 : i32
    %dma_start3A_46 = arith.constant 0 : i32
    %dma_start3A_47 = tpu.memref_slice %arg3[%add3A, %dma_start3A_45, %dma_start3A_46] : memref<32x240x128xi32, #tpu.memory_space<hbm>> -> memref<1x4x128xi32, #tpu.memory_space<hbm>>
    %dma_start3A_48 = tpu.memref_squeeze %dma_start3A_47 : memref<1x4x128xi32, #tpu.memory_space<hbm>> -> memref<4x128xi32, #tpu.memory_space<hbm>>
    tpu.enqueue_dma source(%dma_start3A_48 : memref<4x128xi32, #tpu.memory_space<hbm>>) target(%dma_start3A_44 : memref<4x128xi32, #tpu.memory_space<vmem>>) target_semaphore(%arg14 : memref<!tpu.dma_semaphore, #tpu.memory_space<semaphore_mem>>)
    %dma_start3A_49 = arith.constant 1 : i32
    %dma_start3A_50 = arith.constant 0 : i32
    %dma_start3A_51 = arith.constant 0 : i32
    %dma_start3A_52 = tpu.memref_slice %arg8[%dma_start3A_49, %dma_start3A_50, %dma_start3A_51] : memref<2x4x128xi32, #tpu.memory_space<vmem>> -> memref<1x4x128xi32, #tpu.memory_space<vmem>>
    %dma_start3A_53 = tpu.memref_squeeze %dma_start3A_52 : memref<1x4x128xi32, #tpu.memory_space<vmem>> -> memref<4x128xi32, #tpu.memory_space<vmem>>
    %dma_start3A_54 = arith.constant 4 : i32
    %dma_start3A_55 = arith.constant 0 : i32
    %dma_start3A_56 = tpu.memref_slice %arg4[%add3A, %dma_start3A_54, %dma_start3A_55] : memref<32x240x128xi32, #tpu.memory_space<hbm>> -> memref<1x4x128xi32, #tpu.memory_space<hbm>>
    %dma_start3A_57 = tpu.memref_squeeze %dma_start3A_56 : memref<1x4x128xi32, #tpu.memory_space<hbm>> -> memref<4x128xi32, #tpu.memory_space<hbm>>
    %dma_start3A_58 = arith.constant 0 : i32
    %dma_start3A_59 = arith.constant 0 : i32
    %dma_start3A_60 = tpu.memref_slice %arg8[%dma_start3A_49, %dma_start3A_58, %dma_start3A_59] : memref<2x4x128xi32, #tpu.memory_space<vmem>> -> memref<1x4x128xi32, #tpu.memory_space<vmem>>
    %dma_start3A_61 = tpu.memref_squeeze %dma_start3A_60 : memref<1x4x128xi32, #tpu.memory_space<vmem>> -> memref<4x128xi32, #tpu.memory_space<vmem>>
    %dma_start3A_62 = arith.constant 4 : i32
    %dma_start3A_63 = arith.constant 0 : i32
    %dma_start3A_64 = tpu.memref_slice %arg4[%add3A, %dma_start3A_62, %dma_start3A_63] : memref<32x240x128xi32, #tpu.memory_space<hbm>> -> memref<1x4x128xi32, #tpu.memory_space<hbm>>
    %dma_start3A_65 = tpu.memref_squeeze %dma_start3A_64 : memref<1x4x128xi32, #tpu.memory_space<hbm>> -> memref<4x128xi32, #tpu.memory_space<hbm>>
    tpu.enqueue_dma source(%dma_start3A_65 : memref<4x128xi32, #tpu.memory_space<hbm>>) target(%dma_start3A_61 : memref<4x128xi32, #tpu.memory_space<vmem>>) target_semaphore(%arg14 : memref<!tpu.dma_semaphore, #tpu.memory_space<semaphore_mem>>)
    %dma_start3A_66 = arith.constant 0 : i32
    %dma_start3A_67 = arith.constant 1 : i32
    %dma_start3A_68 = arith.constant 1 : i32
    %dma_start3A_69 = arith.constant 0 : i32
    %dma_start3A_70 = arith.constant 0 : i32
    %dma_start3A_71 = tpu.memref_slice %arg9[%dma_start3A_68, %dma_start3A_69, %dma_start3A_70] : memref<2x128x64xbf16, #tpu.memory_space<vmem>> -> memref<1x128x64xbf16, #tpu.memory_space<vmem>>
    %dma_start3A_72 = tpu.memref_squeeze %dma_start3A_71 : memref<1x128x64xbf16, #tpu.memory_space<vmem>> -> memref<128x64xbf16, #tpu.memory_space<vmem>>
    %dma_start3A_73 = arith.constant 0 : i32
    %dma_start3A_74 = tpu.memref_slice %arg7[%dma_start3A_66, %dma_start3A_67, %dma_start3A_73] : memref<2x4x128xi32, #tpu.memory_space<vmem>> -> memref<1x1x128xi32, #tpu.memory_space<vmem>>
    %dma_start3A_75 = tpu.memref_squeeze %dma_start3A_74 : memref<1x1x128xi32, #tpu.memory_space<vmem>> -> memref<128xi32, #tpu.memory_space<vmem>>
    %dma_start3A_76 = arith.constant 0 : i32
    %dma_start3A_77 = arith.constant 0 : i32
    %dma_start3A_78 = tpu.memref_slice %arg10[%dma_start3A_76, %dma_start3A_77] : memref<30000x64xbf16, #tpu.memory_space<vmem_shared>> -> memref<30000x64xbf16, #tpu.memory_space<vmem_shared>>
    tpu.enqueue_indirect_dma source(%dma_start3A_78 : memref<30000x64xbf16, #tpu.memory_space<vmem_shared>>) target(%dma_start3A_72 : memref<128x64xbf16, #tpu.memory_space<vmem>>) offsets(%dma_start3A_75 : memref<128xi32, #tpu.memory_space<vmem>>) semaphore(%arg12 : memref<!tpu.dma_semaphore, #tpu.memory_space<semaphore_mem>>)
    %dma_start3A_79 = arith.constant 0 : i32
    %dma_start3A_80 = arith.constant 0 : i32
    %dma_start3A_81 = arith.constant 0 : i32
    %dma_start3A_82 = arith.constant 0 : i32
    %dma_start3A_83 = arith.constant 0 : i32
    %dma_start3A_84 = tpu.memref_slice %arg9[%dma_start3A_79, %dma_start3A_82, %dma_start3A_83] : memref<2x128x64xbf16, #tpu.memory_space<vmem>> -> memref<1x128x64xbf16, #tpu.memory_space<vmem>>
    %dma_start3A_85 = tpu.memref_squeeze %dma_start3A_84 : memref<1x128x64xbf16, #tpu.memory_space<vmem>> -> memref<128x64xbf16, #tpu.memory_space<vmem>>
    %dma_start3A_86 = arith.constant 0 : i32
    %dma_start3A_87 = tpu.memref_slice %arg8[%dma_start3A_80, %dma_start3A_81, %dma_start3A_86] : memref<2x4x128xi32, #tpu.memory_space<vmem>> -> memref<1x1x128xi32, #tpu.memory_space<vmem>>
    %dma_start3A_88 = tpu.memref_squeeze %dma_start3A_87 : memref<1x1x128xi32, #tpu.memory_space<vmem>> -> memref<128xi32, #tpu.memory_space<vmem>>
    %dma_start3A_89 = arith.constant 0 : i32
    %dma_start3A_90 = arith.constant 0 : i32
    %dma_start3A_91 = tpu.memref_slice %arg11[%dma_start3A_89, %dma_start3A_90] : memref<30016x64xbf16, #tpu.memory_space<vmem_shared>> -> memref<30016x64xbf16, #tpu.memory_space<vmem_shared>>
    tpu.enqueue_indirect_dma source(%dma_start3A_85 : memref<128x64xbf16, #tpu.memory_space<vmem>>) target(%dma_start3A_91 : memref<30016x64xbf16, #tpu.memory_space<vmem_shared>>) offsets(%dma_start3A_88 : memref<128xi32, #tpu.memory_space<vmem>>) semaphore(%arg13 : memref<!tpu.dma_semaphore, #tpu.memory_space<semaphore_mem>>) {add = true}
    %dma_wait3A_92 = arith.constant 0 : i32
    %dma_wait3A_93 = arith.constant 1 : i32
    %dma_wait3A_94 = arith.constant 1 : i32
    %dma_wait3A_95 = arith.constant 0 : i32
    %dma_wait3A_96 = arith.constant 0 : i32
    %dma_wait3A_97 = tpu.memref_slice %arg9[%dma_wait3A_94, %dma_wait3A_95, %dma_wait3A_96] : memref<2x128x64xbf16, #tpu.memory_space<vmem>> -> memref<1x128x64xbf16, #tpu.memory_space<vmem>>
    %dma_wait3A_98 = tpu.memref_squeeze %dma_wait3A_97 : memref<1x128x64xbf16, #tpu.memory_space<vmem>> -> memref<128x64xbf16, #tpu.memory_space<vmem>>
    %dma_wait3A_99 = arith.constant 0 : i32
    %dma_wait3A_100 = tpu.memref_slice %arg7[%dma_wait3A_92, %dma_wait3A_93, %dma_wait3A_99] : memref<2x4x128xi32, #tpu.memory_space<vmem>> -> memref<1x1x128xi32, #tpu.memory_space<vmem>>
    %dma_wait3A_101 = tpu.memref_squeeze %dma_wait3A_100 : memref<1x1x128xi32, #tpu.memory_space<vmem>> -> memref<128xi32, #tpu.memory_space<vmem>>
    %dma_wait3A_102 = arith.constant 0 : i32
    %dma_wait3A_103 = arith.constant 0 : i32
    %dma_wait3A_104 = tpu.memref_slice %arg10[%dma_wait3A_102, %dma_wait3A_103] : memref<30000x64xbf16, #tpu.memory_space<vmem_shared>> -> memref<30000x64xbf16, #tpu.memory_space<vmem_shared>>
    tpu.wait_indirect_dma semaphore(%arg12 : memref<!tpu.dma_semaphore, #tpu.memory_space<semaphore_mem>>) src(%dma_wait3A_104 : memref<30000x64xbf16, #tpu.memory_space<vmem_shared>>) dst(%dma_wait3A_98 : memref<128x64xbf16, #tpu.memory_space<vmem>>)
    %dma_wait3A_105 = arith.constant 0 : i32
    %dma_wait3A_106 = arith.constant 0 : i32
    %dma_wait3A_107 = arith.constant 1 : i32
    %dma_wait3A_108 = arith.constant 0 : i32
    %dma_wait3A_109 = arith.constant 0 : i32
    %dma_wait3A_110 = tpu.memref_slice %arg9[%dma_wait3A_105, %dma_wait3A_108, %dma_wait3A_109] : memref<2x128x64xbf16, #tpu.memory_space<vmem>> -> memref<1x128x64xbf16, #tpu.memory_space<vmem>>
    %dma_wait3A_111 = tpu.memref_squeeze %dma_wait3A_110 : memref<1x128x64xbf16, #tpu.memory_space<vmem>> -> memref<128x64xbf16, #tpu.memory_space<vmem>>
    %dma_wait3A_112 = arith.constant 0 : i32
    %dma_wait3A_113 = tpu.memref_slice %arg8[%dma_wait3A_106, %dma_wait3A_107, %dma_wait3A_112] : memref<2x4x128xi32, #tpu.memory_space<vmem>> -> memref<1x1x128xi32, #tpu.memory_space<vmem>>
    %dma_wait3A_114 = tpu.memref_squeeze %dma_wait3A_113 : memref<1x1x128xi32, #tpu.memory_space<vmem>> -> memref<128xi32, #tpu.memory_space<vmem>>
    %dma_wait3A_115 = arith.constant 0 : i32
    %dma_wait3A_116 = arith.constant 0 : i32
    %dma_wait3A_117 = tpu.memref_slice %arg11[%dma_wait3A_115, %dma_wait3A_116] : memref<30016x64xbf16, #tpu.memory_space<vmem_shared>> -> memref<30016x64xbf16, #tpu.memory_space<vmem_shared>>
    tpu.wait_indirect_dma semaphore(%arg13 : memref<!tpu.dma_semaphore, #tpu.memory_space<semaphore_mem>>) src(%dma_wait3A_111 : memref<128x64xbf16, #tpu.memory_space<vmem>>) dst(%dma_wait3A_117 : memref<30016x64xbf16, #tpu.memory_space<vmem_shared>>)
    %dma_start3A_118 = arith.constant 0 : i32
    %dma_start3A_119 = arith.constant 2 : i32
    %dma_start3A_120 = arith.constant 0 : i32
    %dma_start3A_121 = arith.constant 0 : i32
    %dma_start3A_122 = arith.constant 0 : i32
    %dma_start3A_123 = tpu.memref_slice %arg9[%dma_start3A_120, %dma_start3A_121, %dma_start3A_122] : memref<2x128x64xbf16, #tpu.memory_space<vmem>> -> memref<1x128x64xbf16, #tpu.memory_space<vmem>>
    %dma_start3A_124 = tpu.memref_squeeze %dma_start3A_123 : memref<1x128x64xbf16, #tpu.memory_space<vmem>> -> memref<128x64xbf16, #tpu.memory_space<vmem>>
    %dma_start3A_125 = arith.constant 0 : i32
    %dma_start3A_126 = tpu.memref_slice %arg7[%dma_start3A_118, %dma_start3A_119, %dma_start3A_125] : memref<2x4x128xi32, #tpu.memory_space<vmem>> -> memref<1x1x128xi32, #tpu.memory_space<vmem>>
    %dma_start3A_127 = tpu.memref_squeeze %dma_start3A_126 : memref<1x1x128xi32, #tpu.memory_space<vmem>> -> memref<128xi32, #tpu.memory_space<vmem>>
    %dma_start3A_128 = arith.constant 0 : i32
    %dma_start3A_129 = arith.constant 0 : i32
    %dma_start3A_130 = tpu.memref_slice %arg10[%dma_start3A_128, %dma_start3A_129] : memref<30000x64xbf16, #tpu.memory_space<vmem_shared>> -> memref<30000x64xbf16, #tpu.memory_space<vmem_shared>>
    tpu.enqueue_indirect_dma source(%dma_start3A_130 : memref<30000x64xbf16, #tpu.memory_space<vmem_shared>>) target(%dma_start3A_124 : memref<128x64xbf16, #tpu.memory_space<vmem>>) offsets(%dma_start3A_127 : memref<128xi32, #tpu.memory_space<vmem>>) semaphore(%arg12 : memref<!tpu.dma_semaphore, #tpu.memory_space<semaphore_mem>>)
    %dma_start3A_131 = arith.constant 1 : i32
    %dma_start3A_132 = arith.constant 0 : i32
    %dma_start3A_133 = arith.constant 1 : i32
    %dma_start3A_134 = arith.constant 0 : i32
    %dma_start3A_135 = arith.constant 0 : i32
    %dma_start3A_136 = tpu.memref_slice %arg9[%dma_start3A_131, %dma_start3A_134, %dma_start3A_135] : memref<2x128x64xbf16, #tpu.memory_space<vmem>> -> memref<1x128x64xbf16, #tpu.memory_space<vmem>>
    %dma_start3A_137 = tpu.memref_squeeze %dma_start3A_136 : memref<1x128x64xbf16, #tpu.memory_space<vmem>> -> memref<128x64xbf16, #tpu.memory_space<vmem>>
    %dma_start3A_138 = arith.constant 0 : i32
    %dma_start3A_139 = tpu.memref_slice %arg8[%dma_start3A_132, %dma_start3A_133, %dma_start3A_138] : memref<2x4x128xi32, #tpu.memory_space<vmem>> -> memref<1x1x128xi32, #tpu.memory_space<vmem>>
    %dma_start3A_140 = tpu.memref_squeeze %dma_start3A_139 : memref<1x1x128xi32, #tpu.memory_space<vmem>> -> memref<128xi32, #tpu.memory_space<vmem>>
    %dma_start3A_141 = arith.constant 0 : i32
    %dma_start3A_142 = arith.constant 0 : i32
    %dma_start3A_143 = tpu.memref_slice %arg11[%dma_start3A_141, %dma_start3A_142] : memref<30016x64xbf16, #tpu.memory_space<vmem_shared>> -> memref<30016x64xbf16, #tpu.memory_space<vmem_shared>>
    tpu.enqueue_indirect_dma source(%dma_start3A_137 : memref<128x64xbf16, #tpu.memory_space<vmem>>) target(%dma_start3A_143 : memref<30016x64xbf16, #tpu.memory_space<vmem_shared>>) offsets(%dma_start3A_140 : memref<128xi32, #tpu.memory_space<vmem>>) semaphore(%arg13 : memref<!tpu.dma_semaphore, #tpu.memory_space<semaphore_mem>>) {add = true}
    %dma_wait3A_144 = arith.constant 0 : i32
    %dma_wait3A_145 = arith.constant 2 : i32
    %dma_wait3A_146 = arith.constant 0 : i32
    %dma_wait3A_147 = arith.constant 0 : i32
    %dma_wait3A_148 = arith.constant 0 : i32
    %dma_wait3A_149 = tpu.memref_slice %arg9[%dma_wait3A_146, %dma_wait3A_147, %dma_wait3A_148] : memref<2x128x64xbf16, #tpu.memory_space<vmem>> -> memref<1x128x64xbf16, #tpu.memory_space<vmem>>
    %dma_wait3A_150 = tpu.memref_squeeze %dma_wait3A_149 : memref<1x128x64xbf16, #tpu.memory_space<vmem>> -> memref<128x64xbf16, #tpu.memory_space<vmem>>
    %dma_wait3A_151 = arith.constant 0 : i32
    %dma_wait3A_152 = tpu.memref_slice %arg7[%dma_wait3A_144, %dma_wait3A_145, %dma_wait3A_151] : memref<2x4x128xi32, #tpu.memory_space<vmem>> -> memref<1x1x128xi32, #tpu.memory_space<vmem>>
    %dma_wait3A_153 = tpu.memref_squeeze %dma_wait3A_152 : memref<1x1x128xi32, #tpu.memory_space<vmem>> -> memref<128xi32, #tpu.memory_space<vmem>>
    %dma_wait3A_154 = arith.constant 0 : i32
    %dma_wait3A_155 = arith.constant 0 : i32
    %dma_wait3A_156 = tpu.memref_slice %arg10[%dma_wait3A_154, %dma_wait3A_155] : memref<30000x64xbf16, #tpu.memory_space<vmem_shared>> -> memref<30000x64xbf16, #tpu.memory_space<vmem_shared>>
    tpu.wait_indirect_dma semaphore(%arg12 : memref<!tpu.dma_semaphore, #tpu.memory_space<semaphore_mem>>) src(%dma_wait3A_156 : memref<30000x64xbf16, #tpu.memory_space<vmem_shared>>) dst(%dma_wait3A_150 : memref<128x64xbf16, #tpu.memory_space<vmem>>)
    %dma_wait3A_157 = arith.constant 1 : i32
    %dma_wait3A_158 = arith.constant 0 : i32
    %dma_wait3A_159 = arith.constant 2 : i32
    %dma_wait3A_160 = arith.constant 0 : i32
    %dma_wait3A_161 = arith.constant 0 : i32
    %dma_wait3A_162 = tpu.memref_slice %arg9[%dma_wait3A_157, %dma_wait3A_160, %dma_wait3A_161] : memref<2x128x64xbf16, #tpu.memory_space<vmem>> -> memref<1x128x64xbf16, #tpu.memory_space<vmem>>
    %dma_wait3A_163 = tpu.memref_squeeze %dma_wait3A_162 : memref<1x128x64xbf16, #tpu.memory_space<vmem>> -> memref<128x64xbf16, #tpu.memory_space<vmem>>
    %dma_wait3A_164 = arith.constant 0 : i32
    %dma_wait3A_165 = tpu.memref_slice %arg8[%dma_wait3A_158, %dma_wait3A_159, %dma_wait3A_164] : memref<2x4x128xi32, #tpu.memory_space<vmem>> -> memref<1x1x128xi32, #tpu.memory_space<vmem>>
    %dma_wait3A_166 = tpu.memref_squeeze %dma_wait3A_165 : memref<1x1x128xi32, #tpu.memory_space<vmem>> -> memref<128xi32, #tpu.memory_space<vmem>>
    %dma_wait3A_167 = arith.constant 0 : i32
    %dma_wait3A_168 = arith.constant 0 : i32
    %dma_wait3A_169 = tpu.memref_slice %arg11[%dma_wait3A_167, %dma_wait3A_168] : memref<30016x64xbf16, #tpu.memory_space<vmem_shared>> -> memref<30016x64xbf16, #tpu.memory_space<vmem_shared>>
    tpu.wait_indirect_dma semaphore(%arg13 : memref<!tpu.dma_semaphore, #tpu.memory_space<semaphore_mem>>) src(%dma_wait3A_163 : memref<128x64xbf16, #tpu.memory_space<vmem>>) dst(%dma_wait3A_169 : memref<30016x64xbf16, #tpu.memory_space<vmem_shared>>)
    %dma_start3A_170 = arith.constant 0 : i32
    %dma_start3A_171 = arith.constant 3 : i32
    %dma_start3A_172 = arith.constant 1 : i32
    %dma_start3A_173 = arith.constant 0 : i32
    %dma_start3A_174 = arith.constant 0 : i32
    %dma_start3A_175 = tpu.memref_slice %arg9[%dma_start3A_172, %dma_start3A_173, %dma_start3A_174] : memref<2x128x64xbf16, #tpu.memory_space<vmem>> -> memref<1x128x64xbf16, #tpu.memory_space<vmem>>
    %dma_start3A_176 = tpu.memref_squeeze %dma_start3A_175 : memref<1x128x64xbf16, #tpu.memory_space<vmem>> -> memref<128x64xbf16, #tpu.memory_space<vmem>>
    %dma_start3A_177 = arith.constant 0 : i32
    %dma_start3A_178 = tpu.memref_slice %arg7[%dma_start3A_170, %dma_start3A_171, %dma_start3A_177] : memref<2x4x128xi32, #tpu.memory_space<vmem>> -> memref<1x1x128xi32, #tpu.memory_space<vmem>>
    %dma_start3A_179 = tpu.memref_squeeze %dma_start3A_178 : memref<1x1x128xi32, #tpu.memory_space<vmem>> -> memref<128xi32, #tpu.memory_space<vmem>>
    %dma_start3A_180 = arith.constant 0 : i32
    %dma_start3A_181 = arith.constant 0 : i32
    %dma_start3A_182 = tpu.memref_slice %arg10[%dma_start3A_180, %dma_start3A_181] : memref<30000x64xbf16, #tpu.memory_space<vmem_shared>> -> memref<30000x64xbf16, #tpu.memory_space<vmem_shared>>
    tpu.enqueue_indirect_dma source(%dma_start3A_182 : memref<30000x64xbf16, #tpu.memory_space<vmem_shared>>) target(%dma_start3A_176 : memref<128x64xbf16, #tpu.memory_space<vmem>>) offsets(%dma_start3A_179 : memref<128xi32, #tpu.memory_space<vmem>>) semaphore(%arg12 : memref<!tpu.dma_semaphore, #tpu.memory_space<semaphore_mem>>)
    %dma_start3A_183 = arith.constant 0 : i32
    %dma_start3A_184 = arith.constant 0 : i32
    %dma_start3A_185 = arith.constant 2 : i32
    %dma_start3A_186 = arith.constant 0 : i32
    %dma_start3A_187 = arith.constant 0 : i32
    %dma_start3A_188 = tpu.memref_slice %arg9[%dma_start3A_183, %dma_start3A_186, %dma_start3A_187] : memref<2x128x64xbf16, #tpu.memory_space<vmem>> -> memref<1x128x64xbf16, #tpu.memory_space<vmem>>
    %dma_start3A_189 = tpu.memref_squeeze %dma_start3A_188 : memref<1x128x64xbf16, #tpu.memory_space<vmem>> -> memref<128x64xbf16, #tpu.memory_space<vmem>>
    %dma_start3A_190 = arith.constant 0 : i32
    %dma_start3A_191 = tpu.memref_slice %arg8[%dma_start3A_184, %dma_start3A_185, %dma_start3A_190] : memref<2x4x128xi32, #tpu.memory_space<vmem>> -> memref<1x1x128xi32, #tpu.memory_space<vmem>>
    %dma_start3A_192 = tpu.memref_squeeze %dma_start3A_191 : memref<1x1x128xi32, #tpu.memory_space<vmem>> -> memref<128xi32, #tpu.memory_space<vmem>>
    %dma_start3A_193 = arith.constant 0 : i32
    %dma_start3A_194 = arith.constant 0 : i32
    %dma_start3A_195 = tpu.memref_slice %arg11[%dma_start3A_193, %dma_start3A_194] : memref<30016x64xbf16, #tpu.memory_space<vmem_shared>> -> memref<30016x64xbf16, #tpu.memory_space<vmem_shared>>
    tpu.enqueue_indirect_dma source(%dma_start3A_189 : memref<128x64xbf16, #tpu.memory_space<vmem>>) target(%dma_start3A_195 : memref<30016x64xbf16, #tpu.memory_space<vmem_shared>>) offsets(%dma_start3A_192 : memref<128xi32, #tpu.memory_space<vmem>>) semaphore(%arg13 : memref<!tpu.dma_semaphore, #tpu.memory_space<semaphore_mem>>) {add = true}
    %dma_wait3A_196 = arith.constant 0 : i32
    %dma_wait3A_197 = arith.constant 3 : i32
    %dma_wait3A_198 = arith.constant 1 : i32
    %dma_wait3A_199 = arith.constant 0 : i32
    %dma_wait3A_200 = arith.constant 0 : i32
    %dma_wait3A_201 = tpu.memref_slice %arg9[%dma_wait3A_198, %dma_wait3A_199, %dma_wait3A_200] : memref<2x128x64xbf16, #tpu.memory_space<vmem>> -> memref<1x128x64xbf16, #tpu.memory_space<vmem>>
    %dma_wait3A_202 = tpu.memref_squeeze %dma_wait3A_201 : memref<1x128x64xbf16, #tpu.memory_space<vmem>> -> memref<128x64xbf16, #tpu.memory_space<vmem>>
    %dma_wait3A_203 = arith.constant 0 : i32
    %dma_wait3A_204 = tpu.memref_slice %arg7[%dma_wait3A_196, %dma_wait3A_197, %dma_wait3A_203] : memref<2x4x128xi32, #tpu.memory_space<vmem>> -> memref<1x1x128xi32, #tpu.memory_space<vmem>>
    %dma_wait3A_205 = tpu.memref_squeeze %dma_wait3A_204 : memref<1x1x128xi32, #tpu.memory_space<vmem>> -> memref<128xi32, #tpu.memory_space<vmem>>
    %dma_wait3A_206 = arith.constant 0 : i32
    %dma_wait3A_207 = arith.constant 0 : i32
    %dma_wait3A_208 = tpu.memref_slice %arg10[%dma_wait3A_206, %dma_wait3A_207] : memref<30000x64xbf16, #tpu.memory_space<vmem_shared>> -> memref<30000x64xbf16, #tpu.memory_space<vmem_shared>>
    tpu.wait_indirect_dma semaphore(%arg12 : memref<!tpu.dma_semaphore, #tpu.memory_space<semaphore_mem>>) src(%dma_wait3A_208 : memref<30000x64xbf16, #tpu.memory_space<vmem_shared>>) dst(%dma_wait3A_202 : memref<128x64xbf16, #tpu.memory_space<vmem>>)
    %dma_wait3A_209 = arith.constant 0 : i32
    %dma_wait3A_210 = arith.constant 0 : i32
    %dma_wait3A_211 = arith.constant 3 : i32
    %dma_wait3A_212 = arith.constant 0 : i32
    %dma_wait3A_213 = arith.constant 0 : i32
    %dma_wait3A_214 = tpu.memref_slice %arg9[%dma_wait3A_209, %dma_wait3A_212, %dma_wait3A_213] : memref<2x128x64xbf16, #tpu.memory_space<vmem>> -> memref<1x128x64xbf16, #tpu.memory_space<vmem>>
    %dma_wait3A_215 = tpu.memref_squeeze %dma_wait3A_214 : memref<1x128x64xbf16, #tpu.memory_space<vmem>> -> memref<128x64xbf16, #tpu.memory_space<vmem>>
    %dma_wait3A_216 = arith.constant 0 : i32
    %dma_wait3A_217 = tpu.memref_slice %arg8[%dma_wait3A_210, %dma_wait3A_211, %dma_wait3A_216] : memref<2x4x128xi32, #tpu.memory_space<vmem>> -> memref<1x1x128xi32, #tpu.memory_space<vmem>>
    %dma_wait3A_218 = tpu.memref_squeeze %dma_wait3A_217 : memref<1x1x128xi32, #tpu.memory_space<vmem>> -> memref<128xi32, #tpu.memory_space<vmem>>
    %dma_wait3A_219 = arith.constant 0 : i32
    %dma_wait3A_220 = arith.constant 0 : i32
    %dma_wait3A_221 = tpu.memref_slice %arg11[%dma_wait3A_219, %dma_wait3A_220] : memref<30016x64xbf16, #tpu.memory_space<vmem_shared>> -> memref<30016x64xbf16, #tpu.memory_space<vmem_shared>>
    tpu.wait_indirect_dma semaphore(%arg13 : memref<!tpu.dma_semaphore, #tpu.memory_space<semaphore_mem>>) src(%dma_wait3A_215 : memref<128x64xbf16, #tpu.memory_space<vmem>>) dst(%dma_wait3A_221 : memref<30016x64xbf16, #tpu.memory_space<vmem_shared>>)
    %dma_wait3A_222 = arith.constant 1 : i32
    %dma_wait3A_223 = arith.constant 0 : i32
    %dma_wait3A_224 = arith.constant 0 : i32
    %dma_wait3A_225 = tpu.memref_slice %arg7[%dma_wait3A_222, %dma_wait3A_223, %dma_wait3A_224] : memref<2x4x128xi32, #tpu.memory_space<vmem>> -> memref<1x4x128xi32, #tpu.memory_space<vmem>>
    %dma_wait3A_226 = tpu.memref_squeeze %dma_wait3A_225 : memref<1x4x128xi32, #tpu.memory_space<vmem>> -> memref<4x128xi32, #tpu.memory_space<vmem>>
    %dma_wait3A_227 = arith.constant 4 : i32
    %dma_wait3A_228 = arith.constant 0 : i32
    %dma_wait3A_229 = tpu.memref_slice %arg3[%add3A, %dma_wait3A_227, %dma_wait3A_228] : memref<32x240x128xi32, #tpu.memory_space<hbm>> -> memref<1x4x128xi32, #tpu.memory_space<hbm>>
    %dma_wait3A_230 = tpu.memref_squeeze %dma_wait3A_229 : memref<1x4x128xi32, #tpu.memory_space<hbm>> -> memref<4x128xi32, #tpu.memory_space<hbm>>
    %dma_wait3A_231 = arith.constant 0 : i32
    %dma_wait3A_232 = arith.constant 0 : i32
    %dma_wait3A_233 = tpu.memref_slice %arg7[%dma_wait3A_222, %dma_wait3A_231, %dma_wait3A_232] : memref<2x4x128xi32, #tpu.memory_space<vmem>> -> memref<1x4x128xi32, #tpu.memory_space<vmem>>
    %dma_wait3A_234 = tpu.memref_squeeze %dma_wait3A_233 : memref<1x4x128xi32, #tpu.memory_space<vmem>> -> memref<4x128xi32, #tpu.memory_space<vmem>>
    %dma_wait3A_235 = arith.constant 4 : i32
    %dma_wait3A_236 = arith.constant 0 : i32
    %dma_wait3A_237 = tpu.memref_slice %arg3[%add3A, %dma_wait3A_235, %dma_wait3A_236] : memref<32x240x128xi32, #tpu.memory_space<hbm>> -> memref<1x4x128xi32, #tpu.memory_space<hbm>>
    %dma_wait3A_238 = tpu.memref_squeeze %dma_wait3A_237 : memref<1x4x128xi32, #tpu.memory_space<hbm>> -> memref<4x128xi32, #tpu.memory_space<hbm>>
    tpu.wait_dma2 semaphore(%arg14 : memref<!tpu.dma_semaphore, #tpu.memory_space<semaphore_mem>>) src(%dma_wait3A_238 : memref<4x128xi32, #tpu.memory_space<hbm>>) dst(%dma_wait3A_234 : memref<4x128xi32, #tpu.memory_space<vmem>>)
    %dma_wait3A_239 = arith.constant 1 : i32
    %dma_wait3A_240 = arith.constant 0 : i32
    %dma_wait3A_241 = arith.constant 0 : i32
    %dma_wait3A_242 = tpu.memref_slice %arg8[%dma_wait3A_239, %dma_wait3A_240, %dma_wait3A_241] : memref<2x4x128xi32, #tpu.memory_space<vmem>> -> memref<1x4x128xi32, #tpu.memory_space<vmem>>
    %dma_wait3A_243 = tpu.memref_squeeze %dma_wait3A_242 : memref<1x4x128xi32, #tpu.memory_space<vmem>> -> memref<4x128xi32, #tpu.memory_space<vmem>>
    %dma_wait3A_244 = arith.constant 4 : i32
    %dma_wait3A_245 = arith.constant 0 : i32
    %dma_wait3A_246 = tpu.memref_slice %arg4[%add3A, %dma_wait3A_244, %dma_wait3A_245] : memref<32x240x128xi32, #tpu.memory_space<hbm>> -> memref<1x4x128xi32, #tpu.memory_space<hbm>>
    %dma_wait3A_247 = tpu.memref_squeeze %dma_wait3A_246 : memref<1x4x128xi32, #tpu.memory_space<hbm>> -> memref<4x128xi32, #tpu.memory_space<hbm>>
    %dma_wait3A_248 = arith.constant 0 : i32
    %dma_wait3A_249 = arith.constant 0 : i32
    %dma_wait3A_250 = tpu.memref_slice %arg8[%dma_wait3A_239, %dma_wait3A_248, %dma_wait3A_249] : memref<2x4x128xi32, #tpu.memory_space<vmem>> -> memref<1x4x128xi32, #tpu.memory_space<vmem>>
    %dma_wait3A_251 = tpu.memref_squeeze %dma_wait3A_250 : memref<1x4x128xi32, #tpu.memory_space<vmem>> -> memref<4x128xi32, #tpu.memory_space<vmem>>
    %dma_wait3A_252 = arith.constant 4 : i32
    %dma_wait3A_253 = arith.constant 0 : i32
    %dma_wait3A_254 = tpu.memref_slice %arg4[%add3A, %dma_wait3A_252, %dma_wait3A_253] : memref<32x240x128xi32, #tpu.memory_space<hbm>> -> memref<1x4x128xi32, #tpu.memory_space<hbm>>
    %dma_wait3A_255 = tpu.memref_squeeze %dma_wait3A_254 : memref<1x4x128xi32, #tpu.memory_space<hbm>> -> memref<4x128xi32, #tpu.memory_space<hbm>>
    tpu.wait_dma2 semaphore(%arg14 : memref<!tpu.dma_semaphore, #tpu.memory_space<semaphore_mem>>) src(%dma_wait3A_255 : memref<4x128xi32, #tpu.memory_space<hbm>>) dst(%dma_wait3A_251 : memref<4x128xi32, #tpu.memory_space<vmem>>)
    %dma_start3A_256 = arith.constant 1 : i32
    %dma_start3A_257 = arith.constant 0 : i32
    %dma_start3A_258 = arith.constant 0 : i32
    %dma_start3A_259 = arith.constant 0 : i32
    %dma_start3A_260 = arith.constant 0 : i32
    %dma_start3A_261 = tpu.memref_slice %arg9[%dma_start3A_258, %dma_start3A_259, %dma_start3A_260] : memref<2x128x64xbf16, #tpu.memory_space<vmem>> -> memref<1x128x64xbf16, #tpu.memory_space<vmem>>
    %dma_start3A_262 = tpu.memref_squeeze %dma_start3A_261 : memref<1x128x64xbf16, #tpu.memory_space<vmem>> -> memref<128x64xbf16, #tpu.memory_space<vmem>>
    %dma_start3A_263 = arith.constant 0 : i32
    %dma_start3A_264 = tpu.memref_slice %arg7[%dma_start3A_256, %dma_start3A_257, %dma_start3A_263] : memref<2x4x128xi32, #tpu.memory_space<vmem>> -> memref<1x1x128xi32, #tpu.memory_space<vmem>>
    %dma_start3A_265 = tpu.memref_squeeze %dma_start3A_264 : memref<1x1x128xi32, #tpu.memory_space<vmem>> -> memref<128xi32, #tpu.memory_space<vmem>>
    %dma_start3A_266 = arith.constant 0 : i32
    %dma_start3A_267 = arith.constant 0 : i32
    %dma_start3A_268 = tpu.memref_slice %arg10[%dma_start3A_266, %dma_start3A_267] : memref<30000x64xbf16, #tpu.memory_space<vmem_shared>> -> memref<30000x64xbf16, #tpu.memory_space<vmem_shared>>
    tpu.enqueue_indirect_dma source(%dma_start3A_268 : memref<30000x64xbf16, #tpu.memory_space<vmem_shared>>) target(%dma_start3A_262 : memref<128x64xbf16, #tpu.memory_space<vmem>>) offsets(%dma_start3A_265 : memref<128xi32, #tpu.memory_space<vmem>>) semaphore(%arg12 : memref<!tpu.dma_semaphore, #tpu.memory_space<semaphore_mem>>)
    %dma_start3A_269 = arith.constant 1 : i32
    %dma_start3A_270 = arith.constant 0 : i32
    %dma_start3A_271 = arith.constant 3 : i32
    %dma_start3A_272 = arith.constant 0 : i32
    %dma_start3A_273 = arith.constant 0 : i32
    %dma_start3A_274 = tpu.memref_slice %arg9[%dma_start3A_269, %dma_start3A_272, %dma_start3A_273] : memref<2x128x64xbf16, #tpu.memory_space<vmem>> -> memref<1x128x64xbf16, #tpu.memory_space<vmem>>
    %dma_start3A_275 = tpu.memref_squeeze %dma_start3A_274 : memref<1x128x64xbf16, #tpu.memory_space<vmem>> -> memref<128x64xbf16, #tpu.memory_space<vmem>>
    %dma_start3A_276 = arith.constant 0 : i32
    %dma_start3A_277 = tpu.memref_slice %arg8[%dma_start3A_270, %dma_start3A_271, %dma_start3A_276] : memref<2x4x128xi32, #tpu.memory_space<vmem>> -> memref<1x1x128xi32, #tpu.memory_space<vmem>>
    %dma_start3A_278 = tpu.memref_squeeze %dma_start3A_277 : memref<1x1x128xi32, #tpu.memory_space<vmem>> -> memref<128xi32, #tpu.memory_space<vmem>>
    %dma_start3A_279 = arith.constant 0 : i32
    %dma_start3A_280 = arith.constant 0 : i32
    %dma_start3A_281 = tpu.memref_slice %arg11[%dma_start3A_279, %dma_start3A_280] : memref<30016x64xbf16, #tpu.memory_space<vmem_shared>> -> memref<30016x64xbf16, #tpu.memory_space<vmem_shared>>
    tpu.enqueue_indirect_dma source(%dma_start3A_275 : memref<128x64xbf16, #tpu.memory_space<vmem>>) target(%dma_start3A_281 : memref<30016x64xbf16, #tpu.memory_space<vmem_shared>>) offsets(%dma_start3A_278 : memref<128xi32, #tpu.memory_space<vmem>>) semaphore(%arg13 : memref<!tpu.dma_semaphore, #tpu.memory_space<semaphore_mem>>) {add = true}
    %scan3A = arith.constant 0 : i32
    %scan3A_282 = arith.constant 58 : i32
    %scan3A_283 = arith.addi %scan3A, %scan3A_282 : i32
    %scan3A_284 = arith.constant 1 : i32
    scf.for %scan3A_499 = %scan3A to %scan3A_283 step %scan3A_284  : i32 {
      %mul3A_500 = arith.constant 1 : i32
      %mul3A_501 = arith.muli %scan3A_499, %mul3A_500 : i32
      %add3A_502 = arith.constant 1 : i32
      %add3A_503 = arith.addi %add3A_502, %mul3A_501 : i32
      %rem3A = arith.constant 2 : i32
      %rem3A_504 = arith.remsi %add3A_503, %rem3A : i32
      %dma_wait3A_505 = arith.constant 0 : i32
      %dma_wait3A_506 = arith.constant 0 : i32
      %dma_wait3A_507 = arith.constant 0 : i32
      %dma_wait3A_508 = arith.constant 0 : i32
      %dma_wait3A_509 = tpu.memref_slice %arg9[%dma_wait3A_506, %dma_wait3A_507, %dma_wait3A_508] : memref<2x128x64xbf16, #tpu.memory_space<vmem>> -> memref<1x128x64xbf16, #tpu.memory_space<vmem>>
      %dma_wait3A_510 = tpu.memref_squeeze %dma_wait3A_509 : memref<1x128x64xbf16, #tpu.memory_space<vmem>> -> memref<128x64xbf16, #tpu.memory_space<vmem>>
      %dma_wait3A_511 = arith.constant 0 : i32
      %dma_wait3A_512 = tpu.memref_slice %arg7[%rem3A_504, %dma_wait3A_505, %dma_wait3A_511] : memref<2x4x128xi32, #tpu.memory_space<vmem>> -> memref<1x1x128xi32, #tpu.memory_space<vmem>>
      %dma_wait3A_513 = tpu.memref_squeeze %dma_wait3A_512 : memref<1x1x128xi32, #tpu.memory_space<vmem>> -> memref<128xi32, #tpu.memory_space<vmem>>
      %dma_wait3A_514 = arith.constant 0 : i32
      %dma_wait3A_515 = arith.constant 0 : i32
      %dma_wait3A_516 = tpu.memref_slice %arg10[%dma_wait3A_514, %dma_wait3A_515] : memref<30000x64xbf16, #tpu.memory_space<vmem_shared>> -> memref<30000x64xbf16, #tpu.memory_space<vmem_shared>>
      tpu.wait_indirect_dma semaphore(%arg12 : memref<!tpu.dma_semaphore, #tpu.memory_space<semaphore_mem>>) src(%dma_wait3A_516 : memref<30000x64xbf16, #tpu.memory_space<vmem_shared>>) dst(%dma_wait3A_510 : memref<128x64xbf16, #tpu.memory_space<vmem>>)
      %dma_wait3A_517 = arith.constant 1 : i32
      %dma_wait3A_518 = arith.constant 0 : i32
      %dma_wait3A_519 = arith.constant 0 : i32
      %dma_wait3A_520 = arith.constant 0 : i32
      %dma_wait3A_521 = tpu.memref_slice %arg9[%dma_wait3A_517, %dma_wait3A_519, %dma_wait3A_520] : memref<2x128x64xbf16, #tpu.memory_space<vmem>> -> memref<1x128x64xbf16, #tpu.memory_space<vmem>>
      %dma_wait3A_522 = tpu.memref_squeeze %dma_wait3A_521 : memref<1x128x64xbf16, #tpu.memory_space<vmem>> -> memref<128x64xbf16, #tpu.memory_space<vmem>>
      %dma_wait3A_523 = arith.constant 0 : i32
      %dma_wait3A_524 = tpu.memref_slice %arg8[%rem3A_504, %dma_wait3A_518, %dma_wait3A_523] : memref<2x4x128xi32, #tpu.memory_space<vmem>> -> memref<1x1x128xi32, #tpu.memory_space<vmem>>
      %dma_wait3A_525 = tpu.memref_squeeze %dma_wait3A_524 : memref<1x1x128xi32, #tpu.memory_space<vmem>> -> memref<128xi32, #tpu.memory_space<vmem>>
      %dma_wait3A_526 = arith.constant 0 : i32
      %dma_wait3A_527 = arith.constant 0 : i32
      %dma_wait3A_528 = tpu.memref_slice %arg11[%dma_wait3A_526, %dma_wait3A_527] : memref<30016x64xbf16, #tpu.memory_space<vmem_shared>> -> memref<30016x64xbf16, #tpu.memory_space<vmem_shared>>
      tpu.wait_indirect_dma semaphore(%arg13 : memref<!tpu.dma_semaphore, #tpu.memory_space<semaphore_mem>>) src(%dma_wait3A_522 : memref<128x64xbf16, #tpu.memory_space<vmem>>) dst(%dma_wait3A_528 : memref<30016x64xbf16, #tpu.memory_space<vmem_shared>>)
      %add3A_529 = arith.constant 1 : i32
      %add3A_530 = arith.addi %add3A_503, %add3A_529 : i32
      %sub3A = arith.constant 1 : i32
      %sub3A_531 = arith.subi %sub3A, %rem3A_504 : i32
      %mul3A_532 = arith.constant 4 : i32
      %mul3A_533 = arith.muli %add3A_530, %mul3A_532 : i32
      %dma_start3A_534 = arith.constant 0 : i32
      %dma_start3A_535 = arith.constant 0 : i32
      %dma_start3A_536 = tpu.memref_slice %arg7[%sub3A_531, %dma_start3A_534, %dma_start3A_535] : memref<2x4x128xi32, #tpu.memory_space<vmem>> -> memref<1x4x128xi32, #tpu.memory_space<vmem>>
      %dma_start3A_537 = tpu.memref_squeeze %dma_start3A_536 : memref<1x4x128xi32, #tpu.memory_space<vmem>> -> memref<4x128xi32, #tpu.memory_space<vmem>>
      %dma_start3A_538 = arith.constant 0 : i32
      %dma_start3A_539 = tpu.memref_slice %arg3[%add3A, %mul3A_533, %dma_start3A_538] : memref<32x240x128xi32, #tpu.memory_space<hbm>> -> memref<1x4x128xi32, #tpu.memory_space<hbm>>
      %dma_start3A_540 = tpu.memref_squeeze %dma_start3A_539 : memref<1x4x128xi32, #tpu.memory_space<hbm>> -> memref<4x128xi32, #tpu.memory_space<hbm>>
      %dma_start3A_541 = arith.constant 0 : i32
      %dma_start3A_542 = arith.constant 0 : i32
      %dma_start3A_543 = tpu.memref_slice %arg7[%sub3A_531, %dma_start3A_541, %dma_start3A_542] : memref<2x4x128xi32, #tpu.memory_space<vmem>> -> memref<1x4x128xi32, #tpu.memory_space<vmem>>
      %dma_start3A_544 = tpu.memref_squeeze %dma_start3A_543 : memref<1x4x128xi32, #tpu.memory_space<vmem>> -> memref<4x128xi32, #tpu.memory_space<vmem>>
      %dma_start3A_545 = arith.constant 0 : i32
      %dma_start3A_546 = tpu.memref_slice %arg3[%add3A, %mul3A_533, %dma_start3A_545] : memref<32x240x128xi32, #tpu.memory_space<hbm>> -> memref<1x4x128xi32, #tpu.memory_space<hbm>>
      %dma_start3A_547 = tpu.memref_squeeze %dma_start3A_546 : memref<1x4x128xi32, #tpu.memory_space<hbm>> -> memref<4x128xi32, #tpu.memory_space<hbm>>
      tpu.enqueue_dma source(%dma_start3A_547 : memref<4x128xi32, #tpu.memory_space<hbm>>) target(%dma_start3A_544 : memref<4x128xi32, #tpu.memory_space<vmem>>) target_semaphore(%arg14 : memref<!tpu.dma_semaphore, #tpu.memory_space<semaphore_mem>>)
      %mul3A_548 = arith.constant 4 : i32
      %mul3A_549 = arith.muli %add3A_530, %mul3A_548 : i32
      %dma_start3A_550 = arith.constant 0 : i32
      %dma_start3A_551 = arith.constant 0 : i32
      %dma_start3A_552 = tpu.memref_slice %arg8[%sub3A_531, %dma_start3A_550, %dma_start3A_551] : memref<2x4x128xi32, #tpu.memory_space<vmem>> -> memref<1x4x128xi32, #tpu.memory_space<vmem>>
      %dma_start3A_553 = tpu.memref_squeeze %dma_start3A_552 : memref<1x4x128xi32, #tpu.memory_space<vmem>> -> memref<4x128xi32, #tpu.memory_space<vmem>>
      %dma_start3A_554 = arith.constant 0 : i32
      %dma_start3A_555 = tpu.memref_slice %arg4[%add3A, %mul3A_549, %dma_start3A_554] : memref<32x240x128xi32, #tpu.memory_space<hbm>> -> memref<1x4x128xi32, #tpu.memory_space<hbm>>
      %dma_start3A_556 = tpu.memref_squeeze %dma_start3A_555 : memref<1x4x128xi32, #tpu.memory_space<hbm>> -> memref<4x128xi32, #tpu.memory_space<hbm>>
      %dma_start3A_557 = arith.constant 0 : i32
      %dma_start3A_558 = arith.constant 0 : i32
      %dma_start3A_559 = tpu.memref_slice %arg8[%sub3A_531, %dma_start3A_557, %dma_start3A_558] : memref<2x4x128xi32, #tpu.memory_space<vmem>> -> memref<1x4x128xi32, #tpu.memory_space<vmem>>
      %dma_start3A_560 = tpu.memref_squeeze %dma_start3A_559 : memref<1x4x128xi32, #tpu.memory_space<vmem>> -> memref<4x128xi32, #tpu.memory_space<vmem>>
      %dma_start3A_561 = arith.constant 0 : i32
      %dma_start3A_562 = tpu.memref_slice %arg4[%add3A, %mul3A_549, %dma_start3A_561] : memref<32x240x128xi32, #tpu.memory_space<hbm>> -> memref<1x4x128xi32, #tpu.memory_space<hbm>>
      %dma_start3A_563 = tpu.memref_squeeze %dma_start3A_562 : memref<1x4x128xi32, #tpu.memory_space<hbm>> -> memref<4x128xi32, #tpu.memory_space<hbm>>
      tpu.enqueue_dma source(%dma_start3A_563 : memref<4x128xi32, #tpu.memory_space<hbm>>) target(%dma_start3A_560 : memref<4x128xi32, #tpu.memory_space<vmem>>) target_semaphore(%arg14 : memref<!tpu.dma_semaphore, #tpu.memory_space<semaphore_mem>>)
      %dma_start3A_564 = arith.constant 1 : i32
      %dma_start3A_565 = arith.constant 1 : i32
      %dma_start3A_566 = arith.constant 0 : i32
      %dma_start3A_567 = arith.constant 0 : i32
      %dma_start3A_568 = tpu.memref_slice %arg9[%dma_start3A_565, %dma_start3A_566, %dma_start3A_567] : memref<2x128x64xbf16, #tpu.memory_space<vmem>> -> memref<1x128x64xbf16, #tpu.memory_space<vmem>>
      %dma_start3A_569 = tpu.memref_squeeze %dma_start3A_568 : memref<1x128x64xbf16, #tpu.memory_space<vmem>> -> memref<128x64xbf16, #tpu.memory_space<vmem>>
      %dma_start3A_570 = arith.constant 0 : i32
      %dma_start3A_571 = tpu.memref_slice %arg7[%rem3A_504, %dma_start3A_564, %dma_start3A_570] : memref<2x4x128xi32, #tpu.memory_space<vmem>> -> memref<1x1x128xi32, #tpu.memory_space<vmem>>
      %dma_start3A_572 = tpu.memref_squeeze %dma_start3A_571 : memref<1x1x128xi32, #tpu.memory_space<vmem>> -> memref<128xi32, #tpu.memory_space<vmem>>
      %dma_start3A_573 = arith.constant 0 : i32
      %dma_start3A_574 = arith.constant 0 : i32
      %dma_start3A_575 = tpu.memref_slice %arg10[%dma_start3A_573, %dma_start3A_574] : memref<30000x64xbf16, #tpu.memory_space<vmem_shared>> -> memref<30000x64xbf16, #tpu.memory_space<vmem_shared>>
      tpu.enqueue_indirect_dma source(%dma_start3A_575 : memref<30000x64xbf16, #tpu.memory_space<vmem_shared>>) target(%dma_start3A_569 : memref<128x64xbf16, #tpu.memory_space<vmem>>) offsets(%dma_start3A_572 : memref<128xi32, #tpu.memory_space<vmem>>) semaphore(%arg12 : memref<!tpu.dma_semaphore, #tpu.memory_space<semaphore_mem>>)
      %dma_start3A_576 = arith.constant 0 : i32
      %dma_start3A_577 = arith.constant 0 : i32
      %dma_start3A_578 = arith.constant 0 : i32
      %dma_start3A_579 = arith.constant 0 : i32
      %dma_start3A_580 = tpu.memref_slice %arg9[%dma_start3A_576, %dma_start3A_578, %dma_start3A_579] : memref<2x128x64xbf16, #tpu.memory_space<vmem>> -> memref<1x128x64xbf16, #tpu.memory_space<vmem>>
      %dma_start3A_581 = tpu.memref_squeeze %dma_start3A_580 : memref<1x128x64xbf16, #tpu.memory_space<vmem>> -> memref<128x64xbf16, #tpu.memory_space<vmem>>
      %dma_start3A_582 = arith.constant 0 : i32
      %dma_start3A_583 = tpu.memref_slice %arg8[%rem3A_504, %dma_start3A_577, %dma_start3A_582] : memref<2x4x128xi32, #tpu.memory_space<vmem>> -> memref<1x1x128xi32, #tpu.memory_space<vmem>>
      %dma_start3A_584 = tpu.memref_squeeze %dma_start3A_583 : memref<1x1x128xi32, #tpu.memory_space<vmem>> -> memref<128xi32, #tpu.memory_space<vmem>>
      %dma_start3A_585 = arith.constant 0 : i32
      %dma_start3A_586 = arith.constant 0 : i32
      %dma_start3A_587 = tpu.memref_slice %arg11[%dma_start3A_585, %dma_start3A_586] : memref<30016x64xbf16, #tpu.memory_space<vmem_shared>> -> memref<30016x64xbf16, #tpu.memory_space<vmem_shared>>
      tpu.enqueue_indirect_dma source(%dma_start3A_581 : memref<128x64xbf16, #tpu.memory_space<vmem>>) target(%dma_start3A_587 : memref<30016x64xbf16, #tpu.memory_space<vmem_shared>>) offsets(%dma_start3A_584 : memref<128xi32, #tpu.memory_space<vmem>>) semaphore(%arg13 : memref<!tpu.dma_semaphore, #tpu.memory_space<semaphore_mem>>) {add = true}
      %dma_wait3A_588 = arith.constant 1 : i32
      %dma_wait3A_589 = arith.constant 1 : i32
      %dma_wait3A_590 = arith.constant 0 : i32
      %dma_wait3A_591 = arith.constant 0 : i32
      %dma_wait3A_592 = tpu.memref_slice %arg9[%dma_wait3A_589, %dma_wait3A_590, %dma_wait3A_591] : memref<2x128x64xbf16, #tpu.memory_space<vmem>> -> memref<1x128x64xbf16, #tpu.memory_space<vmem>>
      %dma_wait3A_593 = tpu.memref_squeeze %dma_wait3A_592 : memref<1x128x64xbf16, #tpu.memory_space<vmem>> -> memref<128x64xbf16, #tpu.memory_space<vmem>>
      %dma_wait3A_594 = arith.constant 0 : i32
      %dma_wait3A_595 = tpu.memref_slice %arg7[%rem3A_504, %dma_wait3A_588, %dma_wait3A_594] : memref<2x4x128xi32, #tpu.memory_space<vmem>> -> memref<1x1x128xi32, #tpu.memory_space<vmem>>
      %dma_wait3A_596 = tpu.memref_squeeze %dma_wait3A_595 : memref<1x1x128xi32, #tpu.memory_space<vmem>> -> memref<128xi32, #tpu.memory_space<vmem>>
      %dma_wait3A_597 = arith.constant 0 : i32
      %dma_wait3A_598 = arith.constant 0 : i32
      %dma_wait3A_599 = tpu.memref_slice %arg10[%dma_wait3A_597, %dma_wait3A_598] : memref<30000x64xbf16, #tpu.memory_space<vmem_shared>> -> memref<30000x64xbf16, #tpu.memory_space<vmem_shared>>
      tpu.wait_indirect_dma semaphore(%arg12 : memref<!tpu.dma_semaphore, #tpu.memory_space<semaphore_mem>>) src(%dma_wait3A_599 : memref<30000x64xbf16, #tpu.memory_space<vmem_shared>>) dst(%dma_wait3A_593 : memref<128x64xbf16, #tpu.memory_space<vmem>>)
      %dma_wait3A_600 = arith.constant 0 : i32
      %dma_wait3A_601 = arith.constant 1 : i32
      %dma_wait3A_602 = arith.constant 0 : i32
      %dma_wait3A_603 = arith.constant 0 : i32
      %dma_wait3A_604 = tpu.memref_slice %arg9[%dma_wait3A_600, %dma_wait3A_602, %dma_wait3A_603] : memref<2x128x64xbf16, #tpu.memory_space<vmem>> -> memref<1x128x64xbf16, #tpu.memory_space<vmem>>
      %dma_wait3A_605 = tpu.memref_squeeze %dma_wait3A_604 : memref<1x128x64xbf16, #tpu.memory_space<vmem>> -> memref<128x64xbf16, #tpu.memory_space<vmem>>
      %dma_wait3A_606 = arith.constant 0 : i32
      %dma_wait3A_607 = tpu.memref_slice %arg8[%rem3A_504, %dma_wait3A_601, %dma_wait3A_606] : memref<2x4x128xi32, #tpu.memory_space<vmem>> -> memref<1x1x128xi32, #tpu.memory_space<vmem>>
      %dma_wait3A_608 = tpu.memref_squeeze %dma_wait3A_607 : memref<1x1x128xi32, #tpu.memory_space<vmem>> -> memref<128xi32, #tpu.memory_space<vmem>>
      %dma_wait3A_609 = arith.constant 0 : i32
      %dma_wait3A_610 = arith.constant 0 : i32
      %dma_wait3A_611 = tpu.memref_slice %arg11[%dma_wait3A_609, %dma_wait3A_610] : memref<30016x64xbf16, #tpu.memory_space<vmem_shared>> -> memref<30016x64xbf16, #tpu.memory_space<vmem_shared>>
      tpu.wait_indirect_dma semaphore(%arg13 : memref<!tpu.dma_semaphore, #tpu.memory_space<semaphore_mem>>) src(%dma_wait3A_605 : memref<128x64xbf16, #tpu.memory_space<vmem>>) dst(%dma_wait3A_611 : memref<30016x64xbf16, #tpu.memory_space<vmem_shared>>)
      %dma_start3A_612 = arith.constant 2 : i32
      %dma_start3A_613 = arith.constant 0 : i32
      %dma_start3A_614 = arith.constant 0 : i32
      %dma_start3A_615 = arith.constant 0 : i32
      %dma_start3A_616 = tpu.memref_slice %arg9[%dma_start3A_613, %dma_start3A_614, %dma_start3A_615] : memref<2x128x64xbf16, #tpu.memory_space<vmem>> -> memref<1x128x64xbf16, #tpu.memory_space<vmem>>
      %dma_start3A_617 = tpu.memref_squeeze %dma_start3A_616 : memref<1x128x64xbf16, #tpu.memory_space<vmem>> -> memref<128x64xbf16, #tpu.memory_space<vmem>>
      %dma_start3A_618 = arith.constant 0 : i32
      %dma_start3A_619 = tpu.memref_slice %arg7[%rem3A_504, %dma_start3A_612, %dma_start3A_618] : memref<2x4x128xi32, #tpu.memory_space<vmem>> -> memref<1x1x128xi32, #tpu.memory_space<vmem>>
      %dma_start3A_620 = tpu.memref_squeeze %dma_start3A_619 : memref<1x1x128xi32, #tpu.memory_space<vmem>> -> memref<128xi32, #tpu.memory_space<vmem>>
      %dma_start3A_621 = arith.constant 0 : i32
      %dma_start3A_622 = arith.constant 0 : i32
      %dma_start3A_623 = tpu.memref_slice %arg10[%dma_start3A_621, %dma_start3A_622] : memref<30000x64xbf16, #tpu.memory_space<vmem_shared>> -> memref<30000x64xbf16, #tpu.memory_space<vmem_shared>>
      tpu.enqueue_indirect_dma source(%dma_start3A_623 : memref<30000x64xbf16, #tpu.memory_space<vmem_shared>>) target(%dma_start3A_617 : memref<128x64xbf16, #tpu.memory_space<vmem>>) offsets(%dma_start3A_620 : memref<128xi32, #tpu.memory_space<vmem>>) semaphore(%arg12 : memref<!tpu.dma_semaphore, #tpu.memory_space<semaphore_mem>>)
      %dma_start3A_624 = arith.constant 1 : i32
      %dma_start3A_625 = arith.constant 1 : i32
      %dma_start3A_626 = arith.constant 0 : i32
      %dma_start3A_627 = arith.constant 0 : i32
      %dma_start3A_628 = tpu.memref_slice %arg9[%dma_start3A_624, %dma_start3A_626, %dma_start3A_627] : memref<2x128x64xbf16, #tpu.memory_space<vmem>> -> memref<1x128x64xbf16, #tpu.memory_space<vmem>>
      %dma_start3A_629 = tpu.memref_squeeze %dma_start3A_628 : memref<1x128x64xbf16, #tpu.memory_space<vmem>> -> memref<128x64xbf16, #tpu.memory_space<vmem>>
      %dma_start3A_630 = arith.constant 0 : i32
      %dma_start3A_631 = tpu.memref_slice %arg8[%rem3A_504, %dma_start3A_625, %dma_start3A_630] : memref<2x4x128xi32, #tpu.memory_space<vmem>> -> memref<1x1x128xi32, #tpu.memory_space<vmem>>
      %dma_start3A_632 = tpu.memref_squeeze %dma_start3A_631 : memref<1x1x128xi32, #tpu.memory_space<vmem>> -> memref<128xi32, #tpu.memory_space<vmem>>
      %dma_start3A_633 = arith.constant 0 : i32
      %dma_start3A_634 = arith.constant 0 : i32
      %dma_start3A_635 = tpu.memref_slice %arg11[%dma_start3A_633, %dma_start3A_634] : memref<30016x64xbf16, #tpu.memory_space<vmem_shared>> -> memref<30016x64xbf16, #tpu.memory_space<vmem_shared>>
      tpu.enqueue_indirect_dma source(%dma_start3A_629 : memref<128x64xbf16, #tpu.memory_space<vmem>>) target(%dma_start3A_635 : memref<30016x64xbf16, #tpu.memory_space<vmem_shared>>) offsets(%dma_start3A_632 : memref<128xi32, #tpu.memory_space<vmem>>) semaphore(%arg13 : memref<!tpu.dma_semaphore, #tpu.memory_space<semaphore_mem>>) {add = true}
      %dma_wait3A_636 = arith.constant 2 : i32
      %dma_wait3A_637 = arith.constant 0 : i32
      %dma_wait3A_638 = arith.constant 0 : i32
      %dma_wait3A_639 = arith.constant 0 : i32
      %dma_wait3A_640 = tpu.memref_slice %arg9[%dma_wait3A_637, %dma_wait3A_638, %dma_wait3A_639] : memref<2x128x64xbf16, #tpu.memory_space<vmem>> -> memref<1x128x64xbf16, #tpu.memory_space<vmem>>
      %dma_wait3A_641 = tpu.memref_squeeze %dma_wait3A_640 : memref<1x128x64xbf16, #tpu.memory_space<vmem>> -> memref<128x64xbf16, #tpu.memory_space<vmem>>
      %dma_wait3A_642 = arith.constant 0 : i32
      %dma_wait3A_643 = tpu.memref_slice %arg7[%rem3A_504, %dma_wait3A_636, %dma_wait3A_642] : memref<2x4x128xi32, #tpu.memory_space<vmem>> -> memref<1x1x128xi32, #tpu.memory_space<vmem>>
      %dma_wait3A_644 = tpu.memref_squeeze %dma_wait3A_643 : memref<1x1x128xi32, #tpu.memory_space<vmem>> -> memref<128xi32, #tpu.memory_space<vmem>>
      %dma_wait3A_645 = arith.constant 0 : i32
      %dma_wait3A_646 = arith.constant 0 : i32
      %dma_wait3A_647 = tpu.memref_slice %arg10[%dma_wait3A_645, %dma_wait3A_646] : memref<30000x64xbf16, #tpu.memory_space<vmem_shared>> -> memref<30000x64xbf16, #tpu.memory_space<vmem_shared>>
      tpu.wait_indirect_dma semaphore(%arg12 : memref<!tpu.dma_semaphore, #tpu.memory_space<semaphore_mem>>) src(%dma_wait3A_647 : memref<30000x64xbf16, #tpu.memory_space<vmem_shared>>) dst(%dma_wait3A_641 : memref<128x64xbf16, #tpu.memory_space<vmem>>)
      %dma_wait3A_648 = arith.constant 1 : i32
      %dma_wait3A_649 = arith.constant 2 : i32
      %dma_wait3A_650 = arith.constant 0 : i32
      %dma_wait3A_651 = arith.constant 0 : i32
      %dma_wait3A_652 = tpu.memref_slice %arg9[%dma_wait3A_648, %dma_wait3A_650, %dma_wait3A_651] : memref<2x128x64xbf16, #tpu.memory_space<vmem>> -> memref<1x128x64xbf16, #tpu.memory_space<vmem>>
      %dma_wait3A_653 = tpu.memref_squeeze %dma_wait3A_652 : memref<1x128x64xbf16, #tpu.memory_space<vmem>> -> memref<128x64xbf16, #tpu.memory_space<vmem>>
      %dma_wait3A_654 = arith.constant 0 : i32
      %dma_wait3A_655 = tpu.memref_slice %arg8[%rem3A_504, %dma_wait3A_649, %dma_wait3A_654] : memref<2x4x128xi32, #tpu.memory_space<vmem>> -> memref<1x1x128xi32, #tpu.memory_space<vmem>>
      %dma_wait3A_656 = tpu.memref_squeeze %dma_wait3A_655 : memref<1x1x128xi32, #tpu.memory_space<vmem>> -> memref<128xi32, #tpu.memory_space<vmem>>
      %dma_wait3A_657 = arith.constant 0 : i32
      %dma_wait3A_658 = arith.constant 0 : i32
      %dma_wait3A_659 = tpu.memref_slice %arg11[%dma_wait3A_657, %dma_wait3A_658] : memref<30016x64xbf16, #tpu.memory_space<vmem_shared>> -> memref<30016x64xbf16, #tpu.memory_space<vmem_shared>>
      tpu.wait_indirect_dma semaphore(%arg13 : memref<!tpu.dma_semaphore, #tpu.memory_space<semaphore_mem>>) src(%dma_wait3A_653 : memref<128x64xbf16, #tpu.memory_space<vmem>>) dst(%dma_wait3A_659 : memref<30016x64xbf16, #tpu.memory_space<vmem_shared>>)
      %dma_start3A_660 = arith.constant 3 : i32
      %dma_start3A_661 = arith.constant 1 : i32
      %dma_start3A_662 = arith.constant 0 : i32
      %dma_start3A_663 = arith.constant 0 : i32
      %dma_start3A_664 = tpu.memref_slice %arg9[%dma_start3A_661, %dma_start3A_662, %dma_start3A_663] : memref<2x128x64xbf16, #tpu.memory_space<vmem>> -> memref<1x128x64xbf16, #tpu.memory_space<vmem>>
      %dma_start3A_665 = tpu.memref_squeeze %dma_start3A_664 : memref<1x128x64xbf16, #tpu.memory_space<vmem>> -> memref<128x64xbf16, #tpu.memory_space<vmem>>
      %dma_start3A_666 = arith.constant 0 : i32
      %dma_start3A_667 = tpu.memref_slice %arg7[%rem3A_504, %dma_start3A_660, %dma_start3A_666] : memref<2x4x128xi32, #tpu.memory_space<vmem>> -> memref<1x1x128xi32, #tpu.memory_space<vmem>>
      %dma_start3A_668 = tpu.memref_squeeze %dma_start3A_667 : memref<1x1x128xi32, #tpu.memory_space<vmem>> -> memref<128xi32, #tpu.memory_space<vmem>>
      %dma_start3A_669 = arith.constant 0 : i32
      %dma_start3A_670 = arith.constant 0 : i32
      %dma_start3A_671 = tpu.memref_slice %arg10[%dma_start3A_669, %dma_start3A_670] : memref<30000x64xbf16, #tpu.memory_space<vmem_shared>> -> memref<30000x64xbf16, #tpu.memory_space<vmem_shared>>
      tpu.enqueue_indirect_dma source(%dma_start3A_671 : memref<30000x64xbf16, #tpu.memory_space<vmem_shared>>) target(%dma_start3A_665 : memref<128x64xbf16, #tpu.memory_space<vmem>>) offsets(%dma_start3A_668 : memref<128xi32, #tpu.memory_space<vmem>>) semaphore(%arg12 : memref<!tpu.dma_semaphore, #tpu.memory_space<semaphore_mem>>)
      %dma_start3A_672 = arith.constant 0 : i32
      %dma_start3A_673 = arith.constant 2 : i32
      %dma_start3A_674 = arith.constant 0 : i32
      %dma_start3A_675 = arith.constant 0 : i32
      %dma_start3A_676 = tpu.memref_slice %arg9[%dma_start3A_672, %dma_start3A_674, %dma_start3A_675] : memref<2x128x64xbf16, #tpu.memory_space<vmem>> -> memref<1x128x64xbf16, #tpu.memory_space<vmem>>
      %dma_start3A_677 = tpu.memref_squeeze %dma_start3A_676 : memref<1x128x64xbf16, #tpu.memory_space<vmem>> -> memref<128x64xbf16, #tpu.memory_space<vmem>>
      %dma_start3A_678 = arith.constant 0 : i32
      %dma_start3A_679 = tpu.memref_slice %arg8[%rem3A_504, %dma_start3A_673, %dma_start3A_678] : memref<2x4x128xi32, #tpu.memory_space<vmem>> -> memref<1x1x128xi32, #tpu.memory_space<vmem>>
      %dma_start3A_680 = tpu.memref_squeeze %dma_start3A_679 : memref<1x1x128xi32, #tpu.memory_space<vmem>> -> memref<128xi32, #tpu.memory_space<vmem>>
      %dma_start3A_681 = arith.constant 0 : i32
      %dma_start3A_682 = arith.constant 0 : i32
      %dma_start3A_683 = tpu.memref_slice %arg11[%dma_start3A_681, %dma_start3A_682] : memref<30016x64xbf16, #tpu.memory_space<vmem_shared>> -> memref<30016x64xbf16, #tpu.memory_space<vmem_shared>>
      tpu.enqueue_indirect_dma source(%dma_start3A_677 : memref<128x64xbf16, #tpu.memory_space<vmem>>) target(%dma_start3A_683 : memref<30016x64xbf16, #tpu.memory_space<vmem_shared>>) offsets(%dma_start3A_680 : memref<128xi32, #tpu.memory_space<vmem>>) semaphore(%arg13 : memref<!tpu.dma_semaphore, #tpu.memory_space<semaphore_mem>>) {add = true}
      %dma_wait3A_684 = arith.constant 3 : i32
      %dma_wait3A_685 = arith.constant 1 : i32
      %dma_wait3A_686 = arith.constant 0 : i32
      %dma_wait3A_687 = arith.constant 0 : i32
      %dma_wait3A_688 = tpu.memref_slice %arg9[%dma_wait3A_685, %dma_wait3A_686, %dma_wait3A_687] : memref<2x128x64xbf16, #tpu.memory_space<vmem>> -> memref<1x128x64xbf16, #tpu.memory_space<vmem>>
      %dma_wait3A_689 = tpu.memref_squeeze %dma_wait3A_688 : memref<1x128x64xbf16, #tpu.memory_space<vmem>> -> memref<128x64xbf16, #tpu.memory_space<vmem>>
      %dma_wait3A_690 = arith.constant 0 : i32
      %dma_wait3A_691 = tpu.memref_slice %arg7[%rem3A_504, %dma_wait3A_684, %dma_wait3A_690] : memref<2x4x128xi32, #tpu.memory_space<vmem>> -> memref<1x1x128xi32, #tpu.memory_space<vmem>>
      %dma_wait3A_692 = tpu.memref_squeeze %dma_wait3A_691 : memref<1x1x128xi32, #tpu.memory_space<vmem>> -> memref<128xi32, #tpu.memory_space<vmem>>
      %dma_wait3A_693 = arith.constant 0 : i32
      %dma_wait3A_694 = arith.constant 0 : i32
      %dma_wait3A_695 = tpu.memref_slice %arg10[%dma_wait3A_693, %dma_wait3A_694] : memref<30000x64xbf16, #tpu.memory_space<vmem_shared>> -> memref<30000x64xbf16, #tpu.memory_space<vmem_shared>>
      tpu.wait_indirect_dma semaphore(%arg12 : memref<!tpu.dma_semaphore, #tpu.memory_space<semaphore_mem>>) src(%dma_wait3A_695 : memref<30000x64xbf16, #tpu.memory_space<vmem_shared>>) dst(%dma_wait3A_689 : memref<128x64xbf16, #tpu.memory_space<vmem>>)
      %dma_wait3A_696 = arith.constant 0 : i32
      %dma_wait3A_697 = arith.constant 3 : i32
      %dma_wait3A_698 = arith.constant 0 : i32
      %dma_wait3A_699 = arith.constant 0 : i32
      %dma_wait3A_700 = tpu.memref_slice %arg9[%dma_wait3A_696, %dma_wait3A_698, %dma_wait3A_699] : memref<2x128x64xbf16, #tpu.memory_space<vmem>> -> memref<1x128x64xbf16, #tpu.memory_space<vmem>>
      %dma_wait3A_701 = tpu.memref_squeeze %dma_wait3A_700 : memref<1x128x64xbf16, #tpu.memory_space<vmem>> -> memref<128x64xbf16, #tpu.memory_space<vmem>>
      %dma_wait3A_702 = arith.constant 0 : i32
      %dma_wait3A_703 = tpu.memref_slice %arg8[%rem3A_504, %dma_wait3A_697, %dma_wait3A_702] : memref<2x4x128xi32, #tpu.memory_space<vmem>> -> memref<1x1x128xi32, #tpu.memory_space<vmem>>
      %dma_wait3A_704 = tpu.memref_squeeze %dma_wait3A_703 : memref<1x1x128xi32, #tpu.memory_space<vmem>> -> memref<128xi32, #tpu.memory_space<vmem>>
      %dma_wait3A_705 = arith.constant 0 : i32
      %dma_wait3A_706 = arith.constant 0 : i32
      %dma_wait3A_707 = tpu.memref_slice %arg11[%dma_wait3A_705, %dma_wait3A_706] : memref<30016x64xbf16, #tpu.memory_space<vmem_shared>> -> memref<30016x64xbf16, #tpu.memory_space<vmem_shared>>
      tpu.wait_indirect_dma semaphore(%arg13 : memref<!tpu.dma_semaphore, #tpu.memory_space<semaphore_mem>>) src(%dma_wait3A_701 : memref<128x64xbf16, #tpu.memory_space<vmem>>) dst(%dma_wait3A_707 : memref<30016x64xbf16, #tpu.memory_space<vmem_shared>>)
      %add3A_708 = arith.constant 1 : i32
      %add3A_709 = arith.addi %add3A_503, %add3A_708 : i32
      %sub3A_710 = arith.constant 1 : i32
      %sub3A_711 = arith.subi %sub3A_710, %rem3A_504 : i32
      %mul3A_712 = arith.constant 4 : i32
      %mul3A_713 = arith.muli %add3A_709, %mul3A_712 : i32
      %dma_wait3A_714 = arith.constant 0 : i32
      %dma_wait3A_715 = arith.constant 0 : i32
      %dma_wait3A_716 = tpu.memref_slice %arg7[%sub3A_711, %dma_wait3A_714, %dma_wait3A_715] : memref<2x4x128xi32, #tpu.memory_space<vmem>> -> memref<1x4x128xi32, #tpu.memory_space<vmem>>
      %dma_wait3A_717 = tpu.memref_squeeze %dma_wait3A_716 : memref<1x4x128xi32, #tpu.memory_space<vmem>> -> memref<4x128xi32, #tpu.memory_space<vmem>>
      %dma_wait3A_718 = arith.constant 0 : i32
      %dma_wait3A_719 = tpu.memref_slice %arg3[%add3A, %mul3A_713, %dma_wait3A_718] : memref<32x240x128xi32, #tpu.memory_space<hbm>> -> memref<1x4x128xi32, #tpu.memory_space<hbm>>
      %dma_wait3A_720 = tpu.memref_squeeze %dma_wait3A_719 : memref<1x4x128xi32, #tpu.memory_space<hbm>> -> memref<4x128xi32, #tpu.memory_space<hbm>>
      %dma_wait3A_721 = arith.constant 0 : i32
      %dma_wait3A_722 = arith.constant 0 : i32
      %dma_wait3A_723 = tpu.memref_slice %arg7[%sub3A_711, %dma_wait3A_721, %dma_wait3A_722] : memref<2x4x128xi32, #tpu.memory_space<vmem>> -> memref<1x4x128xi32, #tpu.memory_space<vmem>>
      %dma_wait3A_724 = tpu.memref_squeeze %dma_wait3A_723 : memref<1x4x128xi32, #tpu.memory_space<vmem>> -> memref<4x128xi32, #tpu.memory_space<vmem>>
      %dma_wait3A_725 = arith.constant 0 : i32
      %dma_wait3A_726 = tpu.memref_slice %arg3[%add3A, %mul3A_713, %dma_wait3A_725] : memref<32x240x128xi32, #tpu.memory_space<hbm>> -> memref<1x4x128xi32, #tpu.memory_space<hbm>>
      %dma_wait3A_727 = tpu.memref_squeeze %dma_wait3A_726 : memref<1x4x128xi32, #tpu.memory_space<hbm>> -> memref<4x128xi32, #tpu.memory_space<hbm>>
      tpu.wait_dma2 semaphore(%arg14 : memref<!tpu.dma_semaphore, #tpu.memory_space<semaphore_mem>>) src(%dma_wait3A_727 : memref<4x128xi32, #tpu.memory_space<hbm>>) dst(%dma_wait3A_724 : memref<4x128xi32, #tpu.memory_space<vmem>>)
      %mul3A_728 = arith.constant 4 : i32
      %mul3A_729 = arith.muli %add3A_709, %mul3A_728 : i32
      %dma_wait3A_730 = arith.constant 0 : i32
      %dma_wait3A_731 = arith.constant 0 : i32
      %dma_wait3A_732 = tpu.memref_slice %arg8[%sub3A_711, %dma_wait3A_730, %dma_wait3A_731] : memref<2x4x128xi32, #tpu.memory_space<vmem>> -> memref<1x4x128xi32, #tpu.memory_space<vmem>>
      %dma_wait3A_733 = tpu.memref_squeeze %dma_wait3A_732 : memref<1x4x128xi32, #tpu.memory_space<vmem>> -> memref<4x128xi32, #tpu.memory_space<vmem>>
      %dma_wait3A_734 = arith.constant 0 : i32
      %dma_wait3A_735 = tpu.memref_slice %arg4[%add3A, %mul3A_729, %dma_wait3A_734] : memref<32x240x128xi32, #tpu.memory_space<hbm>> -> memref<1x4x128xi32, #tpu.memory_space<hbm>>
      %dma_wait3A_736 = tpu.memref_squeeze %dma_wait3A_735 : memref<1x4x128xi32, #tpu.memory_space<hbm>> -> memref<4x128xi32, #tpu.memory_space<hbm>>
      %dma_wait3A_737 = arith.constant 0 : i32
      %dma_wait3A_738 = arith.constant 0 : i32
      %dma_wait3A_739 = tpu.memref_slice %arg8[%sub3A_711, %dma_wait3A_737, %dma_wait3A_738] : memref<2x4x128xi32, #tpu.memory_space<vmem>> -> memref<1x4x128xi32, #tpu.memory_space<vmem>>
      %dma_wait3A_740 = tpu.memref_squeeze %dma_wait3A_739 : memref<1x4x128xi32, #tpu.memory_space<vmem>> -> memref<4x128xi32, #tpu.memory_space<vmem>>
      %dma_wait3A_741 = arith.constant 0 : i32
      %dma_wait3A_742 = tpu.memref_slice %arg4[%add3A, %mul3A_729, %dma_wait3A_741] : memref<32x240x128xi32, #tpu.memory_space<hbm>> -> memref<1x4x128xi32, #tpu.memory_space<hbm>>
      %dma_wait3A_743 = tpu.memref_squeeze %dma_wait3A_742 : memref<1x4x128xi32, #tpu.memory_space<hbm>> -> memref<4x128xi32, #tpu.memory_space<hbm>>
      tpu.wait_dma2 semaphore(%arg14 : memref<!tpu.dma_semaphore, #tpu.memory_space<semaphore_mem>>) src(%dma_wait3A_743 : memref<4x128xi32, #tpu.memory_space<hbm>>) dst(%dma_wait3A_740 : memref<4x128xi32, #tpu.memory_space<vmem>>)
      %sub3A_744 = arith.constant 1 : i32
      %sub3A_745 = arith.subi %sub3A_744, %rem3A_504 : i32
      %dma_start3A_746 = arith.constant 0 : i32
      %dma_start3A_747 = arith.constant 0 : i32
      %dma_start3A_748 = arith.constant 0 : i32
      %dma_start3A_749 = arith.constant 0 : i32
      %dma_start3A_750 = tpu.memref_slice %arg9[%dma_start3A_747, %dma_start3A_748, %dma_start3A_749] : memref<2x128x64xbf16, #tpu.memory_space<vmem>> -> memref<1x128x64xbf16, #tpu.memory_space<vmem>>
      %dma_start3A_751 = tpu.memref_squeeze %dma_start3A_750 : memref<1x128x64xbf16, #tpu.memory_space<vmem>> -> memref<128x64xbf16, #tpu.memory_space<vmem>>
      %dma_start3A_752 = arith.constant 0 : i32
      %dma_start3A_753 = tpu.memref_slice %arg7[%sub3A_745, %dma_start3A_746, %dma_start3A_752] : memref<2x4x128xi32, #tpu.memory_space<vmem>> -> memref<1x1x128xi32, #tpu.memory_space<vmem>>
      %dma_start3A_754 = tpu.memref_squeeze %dma_start3A_753 : memref<1x1x128xi32, #tpu.memory_space<vmem>> -> memref<128xi32, #tpu.memory_space<vmem>>
      %dma_start3A_755 = arith.constant 0 : i32
      %dma_start3A_756 = arith.constant 0 : i32
      %dma_start3A_757 = tpu.memref_slice %arg10[%dma_start3A_755, %dma_start3A_756] : memref<30000x64xbf16, #tpu.memory_space<vmem_shared>> -> memref<30000x64xbf16, #tpu.memory_space<vmem_shared>>
      tpu.enqueue_indirect_dma source(%dma_start3A_757 : memref<30000x64xbf16, #tpu.memory_space<vmem_shared>>) target(%dma_start3A_751 : memref<128x64xbf16, #tpu.memory_space<vmem>>) offsets(%dma_start3A_754 : memref<128xi32, #tpu.memory_space<vmem>>) semaphore(%arg12 : memref<!tpu.dma_semaphore, #tpu.memory_space<semaphore_mem>>)
      %dma_start3A_758 = arith.constant 1 : i32
      %dma_start3A_759 = arith.constant 3 : i32
      %dma_start3A_760 = arith.constant 0 : i32
      %dma_start3A_761 = arith.constant 0 : i32
      %dma_start3A_762 = tpu.memref_slice %arg9[%dma_start3A_758, %dma_start3A_760, %dma_start3A_761] : memref<2x128x64xbf16, #tpu.memory_space<vmem>> -> memref<1x128x64xbf16, #tpu.memory_space<vmem>>
      %dma_start3A_763 = tpu.memref_squeeze %dma_start3A_762 : memref<1x128x64xbf16, #tpu.memory_space<vmem>> -> memref<128x64xbf16, #tpu.memory_space<vmem>>
      %dma_start3A_764 = arith.constant 0 : i32
      %dma_start3A_765 = tpu.memref_slice %arg8[%rem3A_504, %dma_start3A_759, %dma_start3A_764] : memref<2x4x128xi32, #tpu.memory_space<vmem>> -> memref<1x1x128xi32, #tpu.memory_space<vmem>>
      %dma_start3A_766 = tpu.memref_squeeze %dma_start3A_765 : memref<1x1x128xi32, #tpu.memory_space<vmem>> -> memref<128xi32, #tpu.memory_space<vmem>>
      %dma_start3A_767 = arith.constant 0 : i32
      %dma_start3A_768 = arith.constant 0 : i32
      %dma_start3A_769 = tpu.memref_slice %arg11[%dma_start3A_767, %dma_start3A_768] : memref<30016x64xbf16, #tpu.memory_space<vmem_shared>> -> memref<30016x64xbf16, #tpu.memory_space<vmem_shared>>
      tpu.enqueue_indirect_dma source(%dma_start3A_763 : memref<128x64xbf16, #tpu.memory_space<vmem>>) target(%dma_start3A_769 : memref<30016x64xbf16, #tpu.memory_space<vmem_shared>>) offsets(%dma_start3A_766 : memref<128xi32, #tpu.memory_space<vmem>>) semaphore(%arg13 : memref<!tpu.dma_semaphore, #tpu.memory_space<semaphore_mem>>) {add = true}
    }
    %scan3A_285 = arith.constant 58 : i32
    %dma_wait3A_286 = arith.constant 1 : i32
    %dma_wait3A_287 = arith.constant 0 : i32
    %dma_wait3A_288 = arith.constant 0 : i32
    %dma_wait3A_289 = arith.constant 0 : i32
    %dma_wait3A_290 = arith.constant 0 : i32
    %dma_wait3A_291 = tpu.memref_slice %arg9[%dma_wait3A_288, %dma_wait3A_289, %dma_wait3A_290] : memref<2x128x64xbf16, #tpu.memory_space<vmem>> -> memref<1x128x64xbf16, #tpu.memory_space<vmem>>
    %dma_wait3A_292 = tpu.memref_squeeze %dma_wait3A_291 : memref<1x128x64xbf16, #tpu.memory_space<vmem>> -> memref<128x64xbf16, #tpu.memory_space<vmem>>
    %dma_wait3A_293 = arith.constant 0 : i32
    %dma_wait3A_294 = tpu.memref_slice %arg7[%dma_wait3A_286, %dma_wait3A_287, %dma_wait3A_293] : memref<2x4x128xi32, #tpu.memory_space<vmem>> -> memref<1x1x128xi32, #tpu.memory_space<vmem>>
    %dma_wait3A_295 = tpu.memref_squeeze %dma_wait3A_294 : memref<1x1x128xi32, #tpu.memory_space<vmem>> -> memref<128xi32, #tpu.memory_space<vmem>>
    %dma_wait3A_296 = arith.constant 0 : i32
    %dma_wait3A_297 = arith.constant 0 : i32
    %dma_wait3A_298 = tpu.memref_slice %arg10[%dma_wait3A_296, %dma_wait3A_297] : memref<30000x64xbf16, #tpu.memory_space<vmem_shared>> -> memref<30000x64xbf16, #tpu.memory_space<vmem_shared>>
    tpu.wait_indirect_dma semaphore(%arg12 : memref<!tpu.dma_semaphore, #tpu.memory_space<semaphore_mem>>) src(%dma_wait3A_298 : memref<30000x64xbf16, #tpu.memory_space<vmem_shared>>) dst(%dma_wait3A_292 : memref<128x64xbf16, #tpu.memory_space<vmem>>)
    %dma_wait3A_299 = arith.constant 1 : i32
    %dma_wait3A_300 = arith.constant 1 : i32
    %dma_wait3A_301 = arith.constant 0 : i32
    %dma_wait3A_302 = arith.constant 0 : i32
    %dma_wait3A_303 = arith.constant 0 : i32
    %dma_wait3A_304 = tpu.memref_slice %arg9[%dma_wait3A_299, %dma_wait3A_302, %dma_wait3A_303] : memref<2x128x64xbf16, #tpu.memory_space<vmem>> -> memref<1x128x64xbf16, #tpu.memory_space<vmem>>
    %dma_wait3A_305 = tpu.memref_squeeze %dma_wait3A_304 : memref<1x128x64xbf16, #tpu.memory_space<vmem>> -> memref<128x64xbf16, #tpu.memory_space<vmem>>
    %dma_wait3A_306 = arith.constant 0 : i32
    %dma_wait3A_307 = tpu.memref_slice %arg8[%dma_wait3A_300, %dma_wait3A_301, %dma_wait3A_306] : memref<2x4x128xi32, #tpu.memory_space<vmem>> -> memref<1x1x128xi32, #tpu.memory_space<vmem>>
    %dma_wait3A_308 = tpu.memref_squeeze %dma_wait3A_307 : memref<1x1x128xi32, #tpu.memory_space<vmem>> -> memref<128xi32, #tpu.memory_space<vmem>>
    %dma_wait3A_309 = arith.constant 0 : i32
    %dma_wait3A_310 = arith.constant 0 : i32
    %dma_wait3A_311 = tpu.memref_slice %arg11[%dma_wait3A_309, %dma_wait3A_310] : memref<30016x64xbf16, #tpu.memory_space<vmem_shared>> -> memref<30016x64xbf16, #tpu.memory_space<vmem_shared>>
    tpu.wait_indirect_dma semaphore(%arg13 : memref<!tpu.dma_semaphore, #tpu.memory_space<semaphore_mem>>) src(%dma_wait3A_305 : memref<128x64xbf16, #tpu.memory_space<vmem>>) dst(%dma_wait3A_311 : memref<30016x64xbf16, #tpu.memory_space<vmem_shared>>)
    %dma_start3A_312 = arith.constant 1 : i32
    %dma_start3A_313 = arith.constant 1 : i32
    %dma_start3A_314 = arith.constant 1 : i32
    %dma_start3A_315 = arith.constant 0 : i32
    %dma_start3A_316 = arith.constant 0 : i32
    %dma_start3A_317 = tpu.memref_slice %arg9[%dma_start3A_314, %dma_start3A_315, %dma_start3A_316] : memref<2x128x64xbf16, #tpu.memory_space<vmem>> -> memref<1x128x64xbf16, #tpu.memory_space<vmem>>
    %dma_start3A_318 = tpu.memref_squeeze %dma_start3A_317 : memref<1x128x64xbf16, #tpu.memory_space<vmem>> -> memref<128x64xbf16, #tpu.memory_space<vmem>>
    %dma_start3A_319 = arith.constant 0 : i32
    %dma_start3A_320 = tpu.memref_slice %arg7[%dma_start3A_312, %dma_start3A_313, %dma_start3A_319] : memref<2x4x128xi32, #tpu.memory_space<vmem>> -> memref<1x1x128xi32, #tpu.memory_space<vmem>>
    %dma_start3A_321 = tpu.memref_squeeze %dma_start3A_320 : memref<1x1x128xi32, #tpu.memory_space<vmem>> -> memref<128xi32, #tpu.memory_space<vmem>>
    %dma_start3A_322 = arith.constant 0 : i32
    %dma_start3A_323 = arith.constant 0 : i32
    %dma_start3A_324 = tpu.memref_slice %arg10[%dma_start3A_322, %dma_start3A_323] : memref<30000x64xbf16, #tpu.memory_space<vmem_shared>> -> memref<30000x64xbf16, #tpu.memory_space<vmem_shared>>
    tpu.enqueue_indirect_dma source(%dma_start3A_324 : memref<30000x64xbf16, #tpu.memory_space<vmem_shared>>) target(%dma_start3A_318 : memref<128x64xbf16, #tpu.memory_space<vmem>>) offsets(%dma_start3A_321 : memref<128xi32, #tpu.memory_space<vmem>>) semaphore(%arg12 : memref<!tpu.dma_semaphore, #tpu.memory_space<semaphore_mem>>)
    %dma_start3A_325 = arith.constant 0 : i32
    %dma_start3A_326 = arith.constant 1 : i32
    %dma_start3A_327 = arith.constant 0 : i32
    %dma_start3A_328 = arith.constant 0 : i32
    %dma_start3A_329 = arith.constant 0 : i32
    %dma_start3A_330 = tpu.memref_slice %arg9[%dma_start3A_325, %dma_start3A_328, %dma_start3A_329] : memref<2x128x64xbf16, #tpu.memory_space<vmem>> -> memref<1x128x64xbf16, #tpu.memory_space<vmem>>
    %dma_start3A_331 = tpu.memref_squeeze %dma_start3A_330 : memref<1x128x64xbf16, #tpu.memory_space<vmem>> -> memref<128x64xbf16, #tpu.memory_space<vmem>>
    %dma_start3A_332 = arith.constant 0 : i32
    %dma_start3A_333 = tpu.memref_slice %arg8[%dma_start3A_326, %dma_start3A_327, %dma_start3A_332] : memref<2x4x128xi32, #tpu.memory_space<vmem>> -> memref<1x1x128xi32, #tpu.memory_space<vmem>>
    %dma_start3A_334 = tpu.memref_squeeze %dma_start3A_333 : memref<1x1x128xi32, #tpu.memory_space<vmem>> -> memref<128xi32, #tpu.memory_space<vmem>>
    %dma_start3A_335 = arith.constant 0 : i32
    %dma_start3A_336 = arith.constant 0 : i32
    %dma_start3A_337 = tpu.memref_slice %arg11[%dma_start3A_335, %dma_start3A_336] : memref<30016x64xbf16, #tpu.memory_space<vmem_shared>> -> memref<30016x64xbf16, #tpu.memory_space<vmem_shared>>
    tpu.enqueue_indirect_dma source(%dma_start3A_331 : memref<128x64xbf16, #tpu.memory_space<vmem>>) target(%dma_start3A_337 : memref<30016x64xbf16, #tpu.memory_space<vmem_shared>>) offsets(%dma_start3A_334 : memref<128xi32, #tpu.memory_space<vmem>>) semaphore(%arg13 : memref<!tpu.dma_semaphore, #tpu.memory_space<semaphore_mem>>) {add = true}
    %dma_wait3A_338 = arith.constant 1 : i32
    %dma_wait3A_339 = arith.constant 1 : i32
    %dma_wait3A_340 = arith.constant 1 : i32
    %dma_wait3A_341 = arith.constant 0 : i32
    %dma_wait3A_342 = arith.constant 0 : i32
    %dma_wait3A_343 = tpu.memref_slice %arg9[%dma_wait3A_340, %dma_wait3A_341, %dma_wait3A_342] : memref<2x128x64xbf16, #tpu.memory_space<vmem>> -> memref<1x128x64xbf16, #tpu.memory_space<vmem>>
    %dma_wait3A_344 = tpu.memref_squeeze %dma_wait3A_343 : memref<1x128x64xbf16, #tpu.memory_space<vmem>> -> memref<128x64xbf16, #tpu.memory_space<vmem>>
    %dma_wait3A_345 = arith.constant 0 : i32
    %dma_wait3A_346 = tpu.memref_slice %arg7[%dma_wait3A_338, %dma_wait3A_339, %dma_wait3A_345] : memref<2x4x128xi32, #tpu.memory_space<vmem>> -> memref<1x1x128xi32, #tpu.memory_space<vmem>>
    %dma_wait3A_347 = tpu.memref_squeeze %dma_wait3A_346 : memref<1x1x128xi32, #tpu.memory_space<vmem>> -> memref<128xi32, #tpu.memory_space<vmem>>
    %dma_wait3A_348 = arith.constant 0 : i32
    %dma_wait3A_349 = arith.constant 0 : i32
    %dma_wait3A_350 = tpu.memref_slice %arg10[%dma_wait3A_348, %dma_wait3A_349] : memref<30000x64xbf16, #tpu.memory_space<vmem_shared>> -> memref<30000x64xbf16, #tpu.memory_space<vmem_shared>>
    tpu.wait_indirect_dma semaphore(%arg12 : memref<!tpu.dma_semaphore, #tpu.memory_space<semaphore_mem>>) src(%dma_wait3A_350 : memref<30000x64xbf16, #tpu.memory_space<vmem_shared>>) dst(%dma_wait3A_344 : memref<128x64xbf16, #tpu.memory_space<vmem>>)
    %dma_wait3A_351 = arith.constant 0 : i32
    %dma_wait3A_352 = arith.constant 1 : i32
    %dma_wait3A_353 = arith.constant 1 : i32
    %dma_wait3A_354 = arith.constant 0 : i32
    %dma_wait3A_355 = arith.constant 0 : i32
    %dma_wait3A_356 = tpu.memref_slice %arg9[%dma_wait3A_351, %dma_wait3A_354, %dma_wait3A_355] : memref<2x128x64xbf16, #tpu.memory_space<vmem>> -> memref<1x128x64xbf16, #tpu.memory_space<vmem>>
    %dma_wait3A_357 = tpu.memref_squeeze %dma_wait3A_356 : memref<1x128x64xbf16, #tpu.memory_space<vmem>> -> memref<128x64xbf16, #tpu.memory_space<vmem>>
    %dma_wait3A_358 = arith.constant 0 : i32
    %dma_wait3A_359 = tpu.memref_slice %arg8[%dma_wait3A_352, %dma_wait3A_353, %dma_wait3A_358] : memref<2x4x128xi32, #tpu.memory_space<vmem>> -> memref<1x1x128xi32, #tpu.memory_space<vmem>>
    %dma_wait3A_360 = tpu.memref_squeeze %dma_wait3A_359 : memref<1x1x128xi32, #tpu.memory_space<vmem>> -> memref<128xi32, #tpu.memory_space<vmem>>
    %dma_wait3A_361 = arith.constant 0 : i32
    %dma_wait3A_362 = arith.constant 0 : i32
    %dma_wait3A_363 = tpu.memref_slice %arg11[%dma_wait3A_361, %dma_wait3A_362] : memref<30016x64xbf16, #tpu.memory_space<vmem_shared>> -> memref<30016x64xbf16, #tpu.memory_space<vmem_shared>>
    tpu.wait_indirect_dma semaphore(%arg13 : memref<!tpu.dma_semaphore, #tpu.memory_space<semaphore_mem>>) src(%dma_wait3A_357 : memref<128x64xbf16, #tpu.memory_space<vmem>>) dst(%dma_wait3A_363 : memref<30016x64xbf16, #tpu.memory_space<vmem_shared>>)
    %dma_start3A_364 = arith.constant 1 : i32
    %dma_start3A_365 = arith.constant 2 : i32
    %dma_start3A_366 = arith.constant 0 : i32
    %dma_start3A_367 = arith.constant 0 : i32
    %dma_start3A_368 = arith.constant 0 : i32
    %dma_start3A_369 = tpu.memref_slice %arg9[%dma_start3A_366, %dma_start3A_367, %dma_start3A_368] : memref<2x128x64xbf16, #tpu.memory_space<vmem>> -> memref<1x128x64xbf16, #tpu.memory_space<vmem>>
    %dma_start3A_370 = tpu.memref_squeeze %dma_start3A_369 : memref<1x128x64xbf16, #tpu.memory_space<vmem>> -> memref<128x64xbf16, #tpu.memory_space<vmem>>
    %dma_start3A_371 = arith.constant 0 : i32
    %dma_start3A_372 = tpu.memref_slice %arg7[%dma_start3A_364, %dma_start3A_365, %dma_start3A_371] : memref<2x4x128xi32, #tpu.memory_space<vmem>> -> memref<1x1x128xi32, #tpu.memory_space<vmem>>
    %dma_start3A_373 = tpu.memref_squeeze %dma_start3A_372 : memref<1x1x128xi32, #tpu.memory_space<vmem>> -> memref<128xi32, #tpu.memory_space<vmem>>
    %dma_start3A_374 = arith.constant 0 : i32
    %dma_start3A_375 = arith.constant 0 : i32
    %dma_start3A_376 = tpu.memref_slice %arg10[%dma_start3A_374, %dma_start3A_375] : memref<30000x64xbf16, #tpu.memory_space<vmem_shared>> -> memref<30000x64xbf16, #tpu.memory_space<vmem_shared>>
    tpu.enqueue_indirect_dma source(%dma_start3A_376 : memref<30000x64xbf16, #tpu.memory_space<vmem_shared>>) target(%dma_start3A_370 : memref<128x64xbf16, #tpu.memory_space<vmem>>) offsets(%dma_start3A_373 : memref<128xi32, #tpu.memory_space<vmem>>) semaphore(%arg12 : memref<!tpu.dma_semaphore, #tpu.memory_space<semaphore_mem>>)
    %dma_start3A_377 = arith.constant 1 : i32
    %dma_start3A_378 = arith.constant 1 : i32
    %dma_start3A_379 = arith.constant 1 : i32
    %dma_start3A_380 = arith.constant 0 : i32
    %dma_start3A_381 = arith.constant 0 : i32
    %dma_start3A_382 = tpu.memref_slice %arg9[%dma_start3A_377, %dma_start3A_380, %dma_start3A_381] : memref<2x128x64xbf16, #tpu.memory_space<vmem>> -> memref<1x128x64xbf16, #tpu.memory_space<vmem>>
    %dma_start3A_383 = tpu.memref_squeeze %dma_start3A_382 : memref<1x128x64xbf16, #tpu.memory_space<vmem>> -> memref<128x64xbf16, #tpu.memory_space<vmem>>
    %dma_start3A_384 = arith.constant 0 : i32
    %dma_start3A_385 = tpu.memref_slice %arg8[%dma_start3A_378, %dma_start3A_379, %dma_start3A_384] : memref<2x4x128xi32, #tpu.memory_space<vmem>> -> memref<1x1x128xi32, #tpu.memory_space<vmem>>
    %dma_start3A_386 = tpu.memref_squeeze %dma_start3A_385 : memref<1x1x128xi32, #tpu.memory_space<vmem>> -> memref<128xi32, #tpu.memory_space<vmem>>
    %dma_start3A_387 = arith.constant 0 : i32
    %dma_start3A_388 = arith.constant 0 : i32
    %dma_start3A_389 = tpu.memref_slice %arg11[%dma_start3A_387, %dma_start3A_388] : memref<30016x64xbf16, #tpu.memory_space<vmem_shared>> -> memref<30016x64xbf16, #tpu.memory_space<vmem_shared>>
    tpu.enqueue_indirect_dma source(%dma_start3A_383 : memref<128x64xbf16, #tpu.memory_space<vmem>>) target(%dma_start3A_389 : memref<30016x64xbf16, #tpu.memory_space<vmem_shared>>) offsets(%dma_start3A_386 : memref<128xi32, #tpu.memory_space<vmem>>) semaphore(%arg13 : memref<!tpu.dma_semaphore, #tpu.memory_space<semaphore_mem>>) {add = true}
    %dma_wait3A_390 = arith.constant 1 : i32
    %dma_wait3A_391 = arith.constant 2 : i32
    %dma_wait3A_392 = arith.constant 0 : i32
    %dma_wait3A_393 = arith.constant 0 : i32
    %dma_wait3A_394 = arith.constant 0 : i32
    %dma_wait3A_395 = tpu.memref_slice %arg9[%dma_wait3A_392, %dma_wait3A_393, %dma_wait3A_394] : memref<2x128x64xbf16, #tpu.memory_space<vmem>> -> memref<1x128x64xbf16, #tpu.memory_space<vmem>>
    %dma_wait3A_396 = tpu.memref_squeeze %dma_wait3A_395 : memref<1x128x64xbf16, #tpu.memory_space<vmem>> -> memref<128x64xbf16, #tpu.memory_space<vmem>>
    %dma_wait3A_397 = arith.constant 0 : i32
    %dma_wait3A_398 = tpu.memref_slice %arg7[%dma_wait3A_390, %dma_wait3A_391, %dma_wait3A_397] : memref<2x4x128xi32, #tpu.memory_space<vmem>> -> memref<1x1x128xi32, #tpu.memory_space<vmem>>
    %dma_wait3A_399 = tpu.memref_squeeze %dma_wait3A_398 : memref<1x1x128xi32, #tpu.memory_space<vmem>> -> memref<128xi32, #tpu.memory_space<vmem>>
    %dma_wait3A_400 = arith.constant 0 : i32
    %dma_wait3A_401 = arith.constant 0 : i32
    %dma_wait3A_402 = tpu.memref_slice %arg10[%dma_wait3A_400, %dma_wait3A_401] : memref<30000x64xbf16, #tpu.memory_space<vmem_shared>> -> memref<30000x64xbf16, #tpu.memory_space<vmem_shared>>
    tpu.wait_indirect_dma semaphore(%arg12 : memref<!tpu.dma_semaphore, #tpu.memory_space<semaphore_mem>>) src(%dma_wait3A_402 : memref<30000x64xbf16, #tpu.memory_space<vmem_shared>>) dst(%dma_wait3A_396 : memref<128x64xbf16, #tpu.memory_space<vmem>>)
    %dma_wait3A_403 = arith.constant 1 : i32
    %dma_wait3A_404 = arith.constant 1 : i32
    %dma_wait3A_405 = arith.constant 2 : i32
    %dma_wait3A_406 = arith.constant 0 : i32
    %dma_wait3A_407 = arith.constant 0 : i32
    %dma_wait3A_408 = tpu.memref_slice %arg9[%dma_wait3A_403, %dma_wait3A_406, %dma_wait3A_407] : memref<2x128x64xbf16, #tpu.memory_space<vmem>> -> memref<1x128x64xbf16, #tpu.memory_space<vmem>>
    %dma_wait3A_409 = tpu.memref_squeeze %dma_wait3A_408 : memref<1x128x64xbf16, #tpu.memory_space<vmem>> -> memref<128x64xbf16, #tpu.memory_space<vmem>>
    %dma_wait3A_410 = arith.constant 0 : i32
    %dma_wait3A_411 = tpu.memref_slice %arg8[%dma_wait3A_404, %dma_wait3A_405, %dma_wait3A_410] : memref<2x4x128xi32, #tpu.memory_space<vmem>> -> memref<1x1x128xi32, #tpu.memory_space<vmem>>
    %dma_wait3A_412 = tpu.memref_squeeze %dma_wait3A_411 : memref<1x1x128xi32, #tpu.memory_space<vmem>> -> memref<128xi32, #tpu.memory_space<vmem>>
    %dma_wait3A_413 = arith.constant 0 : i32
    %dma_wait3A_414 = arith.constant 0 : i32
    %dma_wait3A_415 = tpu.memref_slice %arg11[%dma_wait3A_413, %dma_wait3A_414] : memref<30016x64xbf16, #tpu.memory_space<vmem_shared>> -> memref<30016x64xbf16, #tpu.memory_space<vmem_shared>>
    tpu.wait_indirect_dma semaphore(%arg13 : memref<!tpu.dma_semaphore, #tpu.memory_space<semaphore_mem>>) src(%dma_wait3A_409 : memref<128x64xbf16, #tpu.memory_space<vmem>>) dst(%dma_wait3A_415 : memref<30016x64xbf16, #tpu.memory_space<vmem_shared>>)
    %dma_start3A_416 = arith.constant 1 : i32
    %dma_start3A_417 = arith.constant 3 : i32
    %dma_start3A_418 = arith.constant 1 : i32
    %dma_start3A_419 = arith.constant 0 : i32
    %dma_start3A_420 = arith.constant 0 : i32
    %dma_start3A_421 = tpu.memref_slice %arg9[%dma_start3A_418, %dma_start3A_419, %dma_start3A_420] : memref<2x128x64xbf16, #tpu.memory_space<vmem>> -> memref<1x128x64xbf16, #tpu.memory_space<vmem>>
    %dma_start3A_422 = tpu.memref_squeeze %dma_start3A_421 : memref<1x128x64xbf16, #tpu.memory_space<vmem>> -> memref<128x64xbf16, #tpu.memory_space<vmem>>
    %dma_start3A_423 = arith.constant 0 : i32
    %dma_start3A_424 = tpu.memref_slice %arg7[%dma_start3A_416, %dma_start3A_417, %dma_start3A_423] : memref<2x4x128xi32, #tpu.memory_space<vmem>> -> memref<1x1x128xi32, #tpu.memory_space<vmem>>
    %dma_start3A_425 = tpu.memref_squeeze %dma_start3A_424 : memref<1x1x128xi32, #tpu.memory_space<vmem>> -> memref<128xi32, #tpu.memory_space<vmem>>
    %dma_start3A_426 = arith.constant 0 : i32
    %dma_start3A_427 = arith.constant 0 : i32
    %dma_start3A_428 = tpu.memref_slice %arg10[%dma_start3A_426, %dma_start3A_427] : memref<30000x64xbf16, #tpu.memory_space<vmem_shared>> -> memref<30000x64xbf16, #tpu.memory_space<vmem_shared>>
    tpu.enqueue_indirect_dma source(%dma_start3A_428 : memref<30000x64xbf16, #tpu.memory_space<vmem_shared>>) target(%dma_start3A_422 : memref<128x64xbf16, #tpu.memory_space<vmem>>) offsets(%dma_start3A_425 : memref<128xi32, #tpu.memory_space<vmem>>) semaphore(%arg12 : memref<!tpu.dma_semaphore, #tpu.memory_space<semaphore_mem>>)
    %dma_start3A_429 = arith.constant 0 : i32
    %dma_start3A_430 = arith.constant 1 : i32
    %dma_start3A_431 = arith.constant 2 : i32
    %dma_start3A_432 = arith.constant 0 : i32
    %dma_start3A_433 = arith.constant 0 : i32
    %dma_start3A_434 = tpu.memref_slice %arg9[%dma_start3A_429, %dma_start3A_432, %dma_start3A_433] : memref<2x128x64xbf16, #tpu.memory_space<vmem>> -> memref<1x128x64xbf16, #tpu.memory_space<vmem>>
    %dma_start3A_435 = tpu.memref_squeeze %dma_start3A_434 : memref<1x128x64xbf16, #tpu.memory_space<vmem>> -> memref<128x64xbf16, #tpu.memory_space<vmem>>
    %dma_start3A_436 = arith.constant 0 : i32
    %dma_start3A_437 = tpu.memref_slice %arg8[%dma_start3A_430, %dma_start3A_431, %dma_start3A_436] : memref<2x4x128xi32, #tpu.memory_space<vmem>> -> memref<1x1x128xi32, #tpu.memory_space<vmem>>
    %dma_start3A_438 = tpu.memref_squeeze %dma_start3A_437 : memref<1x1x128xi32, #tpu.memory_space<vmem>> -> memref<128xi32, #tpu.memory_space<vmem>>
    %dma_start3A_439 = arith.constant 0 : i32
    %dma_start3A_440 = arith.constant 0 : i32
    %dma_start3A_441 = tpu.memref_slice %arg11[%dma_start3A_439, %dma_start3A_440] : memref<30016x64xbf16, #tpu.memory_space<vmem_shared>> -> memref<30016x64xbf16, #tpu.memory_space<vmem_shared>>
    tpu.enqueue_indirect_dma source(%dma_start3A_435 : memref<128x64xbf16, #tpu.memory_space<vmem>>) target(%dma_start3A_441 : memref<30016x64xbf16, #tpu.memory_space<vmem_shared>>) offsets(%dma_start3A_438 : memref<128xi32, #tpu.memory_space<vmem>>) semaphore(%arg13 : memref<!tpu.dma_semaphore, #tpu.memory_space<semaphore_mem>>) {add = true}
    %dma_wait3A_442 = arith.constant 1 : i32
    %dma_wait3A_443 = arith.constant 3 : i32
    %dma_wait3A_444 = arith.constant 1 : i32
    %dma_wait3A_445 = arith.constant 0 : i32
    %dma_wait3A_446 = arith.constant 0 : i32
    %dma_wait3A_447 = tpu.memref_slice %arg9[%dma_wait3A_444, %dma_wait3A_445, %dma_wait3A_446] : memref<2x128x64xbf16, #tpu.memory_space<vmem>> -> memref<1x128x64xbf16, #tpu.memory_space<vmem>>
    %dma_wait3A_448 = tpu.memref_squeeze %dma_wait3A_447 : memref<1x128x64xbf16, #tpu.memory_space<vmem>> -> memref<128x64xbf16, #tpu.memory_space<vmem>>
    %dma_wait3A_449 = arith.constant 0 : i32
    %dma_wait3A_450 = tpu.memref_slice %arg7[%dma_wait3A_442, %dma_wait3A_443, %dma_wait3A_449] : memref<2x4x128xi32, #tpu.memory_space<vmem>> -> memref<1x1x128xi32, #tpu.memory_space<vmem>>
    %dma_wait3A_451 = tpu.memref_squeeze %dma_wait3A_450 : memref<1x1x128xi32, #tpu.memory_space<vmem>> -> memref<128xi32, #tpu.memory_space<vmem>>
    %dma_wait3A_452 = arith.constant 0 : i32
    %dma_wait3A_453 = arith.constant 0 : i32
    %dma_wait3A_454 = tpu.memref_slice %arg10[%dma_wait3A_452, %dma_wait3A_453] : memref<30000x64xbf16, #tpu.memory_space<vmem_shared>> -> memref<30000x64xbf16, #tpu.memory_space<vmem_shared>>
    tpu.wait_indirect_dma semaphore(%arg12 : memref<!tpu.dma_semaphore, #tpu.memory_space<semaphore_mem>>) src(%dma_wait3A_454 : memref<30000x64xbf16, #tpu.memory_space<vmem_shared>>) dst(%dma_wait3A_448 : memref<128x64xbf16, #tpu.memory_space<vmem>>)
    %dma_wait3A_455 = arith.constant 0 : i32
    %dma_wait3A_456 = arith.constant 1 : i32
    %dma_wait3A_457 = arith.constant 3 : i32
    %dma_wait3A_458 = arith.constant 0 : i32
    %dma_wait3A_459 = arith.constant 0 : i32
    %dma_wait3A_460 = tpu.memref_slice %arg9[%dma_wait3A_455, %dma_wait3A_458, %dma_wait3A_459] : memref<2x128x64xbf16, #tpu.memory_space<vmem>> -> memref<1x128x64xbf16, #tpu.memory_space<vmem>>
    %dma_wait3A_461 = tpu.memref_squeeze %dma_wait3A_460 : memref<1x128x64xbf16, #tpu.memory_space<vmem>> -> memref<128x64xbf16, #tpu.memory_space<vmem>>
    %dma_wait3A_462 = arith.constant 0 : i32
    %dma_wait3A_463 = tpu.memref_slice %arg8[%dma_wait3A_456, %dma_wait3A_457, %dma_wait3A_462] : memref<2x4x128xi32, #tpu.memory_space<vmem>> -> memref<1x1x128xi32, #tpu.memory_space<vmem>>
    %dma_wait3A_464 = tpu.memref_squeeze %dma_wait3A_463 : memref<1x1x128xi32, #tpu.memory_space<vmem>> -> memref<128xi32, #tpu.memory_space<vmem>>
    %dma_wait3A_465 = arith.constant 0 : i32
    %dma_wait3A_466 = arith.constant 0 : i32
    %dma_wait3A_467 = tpu.memref_slice %arg11[%dma_wait3A_465, %dma_wait3A_466] : memref<30016x64xbf16, #tpu.memory_space<vmem_shared>> -> memref<30016x64xbf16, #tpu.memory_space<vmem_shared>>
    tpu.wait_indirect_dma semaphore(%arg13 : memref<!tpu.dma_semaphore, #tpu.memory_space<semaphore_mem>>) src(%dma_wait3A_461 : memref<128x64xbf16, #tpu.memory_space<vmem>>) dst(%dma_wait3A_467 : memref<30016x64xbf16, #tpu.memory_space<vmem_shared>>)
    %dma_start3A_468 = arith.constant 1 : i32
    %dma_start3A_469 = arith.constant 1 : i32
    %dma_start3A_470 = arith.constant 3 : i32
    %dma_start3A_471 = arith.constant 0 : i32
    %dma_start3A_472 = arith.constant 0 : i32
    %dma_start3A_473 = tpu.memref_slice %arg9[%dma_start3A_468, %dma_start3A_471, %dma_start3A_472] : memref<2x128x64xbf16, #tpu.memory_space<vmem>> -> memref<1x128x64xbf16, #tpu.memory_space<vmem>>
    %dma_start3A_474 = tpu.memref_squeeze %dma_start3A_473 : memref<1x128x64xbf16, #tpu.memory_space<vmem>> -> memref<128x64xbf16, #tpu.memory_space<vmem>>
    %dma_start3A_475 = arith.constant 0 : i32
    %dma_start3A_476 = tpu.memref_slice %arg8[%dma_start3A_469, %dma_start3A_470, %dma_start3A_475] : memref<2x4x128xi32, #tpu.memory_space<vmem>> -> memref<1x1x128xi32, #tpu.memory_space<vmem>>
    %dma_start3A_477 = tpu.memref_squeeze %dma_start3A_476 : memref<1x1x128xi32, #tpu.memory_space<vmem>> -> memref<128xi32, #tpu.memory_space<vmem>>
    %dma_start3A_478 = arith.constant 0 : i32
    %dma_start3A_479 = arith.constant 0 : i32
    %dma_start3A_480 = tpu.memref_slice %arg11[%dma_start3A_478, %dma_start3A_479] : memref<30016x64xbf16, #tpu.memory_space<vmem_shared>> -> memref<30016x64xbf16, #tpu.memory_space<vmem_shared>>
    tpu.enqueue_indirect_dma source(%dma_start3A_474 : memref<128x64xbf16, #tpu.memory_space<vmem>>) target(%dma_start3A_480 : memref<30016x64xbf16, #tpu.memory_space<vmem_shared>>) offsets(%dma_start3A_477 : memref<128xi32, #tpu.memory_space<vmem>>) semaphore(%arg13 : memref<!tpu.dma_semaphore, #tpu.memory_space<semaphore_mem>>) {add = true}
    %dma_wait3A_481 = arith.constant 1 : i32
    %dma_wait3A_482 = arith.constant 1 : i32
    %dma_wait3A_483 = arith.constant 3 : i32
    %dma_wait3A_484 = arith.constant 0 : i32
    %dma_wait3A_485 = arith.constant 0 : i32
    %dma_wait3A_486 = tpu.memref_slice %arg9[%dma_wait3A_481, %dma_wait3A_484, %dma_wait3A_485] : memref<2x128x64xbf16, #tpu.memory_space<vmem>> -> memref<1x128x64xbf16, #tpu.memory_space<vmem>>
    %dma_wait3A_487 = tpu.memref_squeeze %dma_wait3A_486 : memref<1x128x64xbf16, #tpu.memory_space<vmem>> -> memref<128x64xbf16, #tpu.memory_space<vmem>>
    %dma_wait3A_488 = arith.constant 0 : i32
    %dma_wait3A_489 = tpu.memref_slice %arg8[%dma_wait3A_482, %dma_wait3A_483, %dma_wait3A_488] : memref<2x4x128xi32, #tpu.memory_space<vmem>> -> memref<1x1x128xi32, #tpu.memory_space<vmem>>
    %dma_wait3A_490 = tpu.memref_squeeze %dma_wait3A_489 : memref<1x1x128xi32, #tpu.memory_space<vmem>> -> memref<128xi32, #tpu.memory_space<vmem>>
    %dma_wait3A_491 = arith.constant 0 : i32
    %dma_wait3A_492 = arith.constant 0 : i32
    %dma_wait3A_493 = tpu.memref_slice %arg11[%dma_wait3A_491, %dma_wait3A_492] : memref<30016x64xbf16, #tpu.memory_space<vmem_shared>> -> memref<30016x64xbf16, #tpu.memory_space<vmem_shared>>
    tpu.wait_indirect_dma semaphore(%arg13 : memref<!tpu.dma_semaphore, #tpu.memory_space<semaphore_mem>>) src(%dma_wait3A_487 : memref<128x64xbf16, #tpu.memory_space<vmem>>) dst(%dma_wait3A_493 : memref<30016x64xbf16, #tpu.memory_space<vmem_shared>>)
    %barrier3A_494 = arith.constant 0 : index
    tpu.barrier barrier_id(%barrier3A_494)
    %mul3A_495 = arith.constant 1876 : i32
    %mul3A_496 = arith.muli %arg1, %mul3A_495 : i32
    %mul3A_497 = arith.constant 1876 : i32
    %mul3A_498 = arith.muli %arg1, %mul3A_497 : i32
    "tpu.region"() ({
      %run_scoped3A_499 = tpu.sem_alloc : memref<!tpu.dma_semaphore, #tpu.memory_space<semaphore_mem>>
      %dma_start3A_500 = arith.constant 0 : i32
      %dma_start3A_501 = tpu.memref_slice %arg6[%arg0, %mul3A_498, %dma_start3A_500] : memref<2x30016x64xbf16, #tpu.memory_space<hbm>> -> memref<1x1876x64xbf16, #tpu.memory_space<hbm>>
      %dma_start3A_502 = tpu.memref_squeeze %dma_start3A_501 : memref<1x1876x64xbf16, #tpu.memory_space<hbm>> -> memref<1876x64xbf16, #tpu.memory_space<hbm>>
      %dma_start3A_503 = arith.constant 0 : i32
      %dma_start3A_504 = tpu.memref_slice %arg11[%mul3A_496, %dma_start3A_503] : memref<30016x64xbf16, #tpu.memory_space<vmem_shared>> -> memref<1876x64xbf16, #tpu.memory_space<vmem_shared>>
      tpu.enqueue_dma source(%dma_start3A_504 : memref<1876x64xbf16, #tpu.memory_space<vmem_shared>>) target(%dma_start3A_502 : memref<1876x64xbf16, #tpu.memory_space<hbm>>) target_semaphore(%run_scoped3A_499 : memref<!tpu.dma_semaphore, #tpu.memory_space<semaphore_mem>>)
      %dma_wait3A_505 = arith.constant 0 : i32
      %dma_wait3A_506 = tpu.memref_slice %arg6[%arg0, %mul3A_498, %dma_wait3A_505] : memref<2x30016x64xbf16, #tpu.memory_space<hbm>> -> memref<1x1876x64xbf16, #tpu.memory_space<hbm>>
      %dma_wait3A_507 = tpu.memref_squeeze %dma_wait3A_506 : memref<1x1876x64xbf16, #tpu.memory_space<hbm>> -> memref<1876x64xbf16, #tpu.memory_space<hbm>>
      %dma_wait3A_508 = arith.constant 0 : i32
      %dma_wait3A_509 = tpu.memref_slice %arg11[%mul3A_496, %dma_wait3A_508] : memref<30016x64xbf16, #tpu.memory_space<vmem_shared>> -> memref<1876x64xbf16, #tpu.memory_space<vmem_shared>>
      tpu.wait_dma2 semaphore(%run_scoped3A_499 : memref<!tpu.dma_semaphore, #tpu.memory_space<semaphore_mem>>) src(%dma_wait3A_509 : memref<1876x64xbf16, #tpu.memory_space<vmem_shared>>) dst(%dma_wait3A_507 : memref<1876x64xbf16, #tpu.memory_space<hbm>>)
      tpu.yield
    }) : () -> ()
    return
  }
}

module attributes {stable_mosaic.version = 14 : i64} {
  func.func @_mm_body(%arg0: i32, %arg1: memref<10000x128xf32, #tpu.memory_space<vmem>>, %arg2: memref<1x128x64xf32, #tpu.memory_space<vmem>>, %arg3: memref<1x10000x64xbf16, #tpu.memory_space<vmem>>) attributes {dimension_semantics = [#tpu.dimension_semantics<arbitrary>], iteration_bounds = array<i64: 3>, scalar_prefetch = 0 : i64, scratch_operands = 0 : i64, tpu.core_type = #tpu.core_type<tc>, window_params = [{pipeline_mode = #tpu.pipeline_mode<synchronous>, transform_indices = @transform_0, window_bounds = array<i64: 10000, 128>}, {transform_indices = @transform_1, window_bounds = array<i64: 1, 128, 64>}, {transform_indices = @transform_2, window_bounds = array<i64: 1, 10000, 64>}]} {
    %get3A = arith.constant 0 : index
    %get3A_0 = arith.constant 0 : index
    %get3A_1 = vector.load %arg1[%get3A, %get3A_0] : memref<10000x128xf32, #tpu.memory_space<vmem>>, vector<10000x128xf32>
    %get3A_2 = arith.constant 0 : index
    %get3A_3 = arith.constant 0 : index
    %get3A_4 = arith.constant 0 : index
    %get3A_5 = vector.load %arg2[%get3A_2, %get3A_3, %get3A_4] : memref<1x128x64xf32, #tpu.memory_space<vmem>>, vector<1x128x64xf32>
    %get3A_6 = vector.shape_cast %get3A_5 : vector<1x128x64xf32> to vector<128x64xf32>
    %dot_general3A = arith.constant dense<0.000000e+00> : vector<10000x64xf32>
    %dot_general3A_7 = tpu.matmul %get3A_1, %get3A_6, %dot_general3A {dimension_numbers = #tpu.dot_dimension_numbers<[1], [0], [0], [1], [0, 0, 1, 1], [], []>, transpose_lhs_hint = false} : vector<10000x128xf32>, vector<128x64xf32>, vector<10000x64xf32> -> vector<10000x64xf32>
    %convert_element_type3A = arith.truncf %dot_general3A_7 : vector<10000x64xf32> to vector<10000x64xbf16>
    %swap3A = arith.constant 0 : index
    %swap3A_8 = arith.constant 0 : index
    %swap3A_9 = arith.constant 0 : index
    %swap3A_10 = vector.load %arg3[%swap3A, %swap3A_8, %swap3A_9] : memref<1x10000x64xbf16, #tpu.memory_space<vmem>>, vector<1x10000x64xbf16>
    %swap3A_11 = vector.shape_cast %swap3A_10 : vector<1x10000x64xbf16> to vector<10000x64xbf16>
    %swap3A_12 = vector.shape_cast %convert_element_type3A : vector<10000x64xbf16> to vector<1x10000x64xbf16>
    tpu.vector_store %arg3[%swap3A, %swap3A_8, %swap3A_9], %swap3A_12 {strides = array<i32>} : memref<1x10000x64xbf16, #tpu.memory_space<vmem>>, vector<1x10000x64xbf16>,
    return
  }
  func.func @transform_0(%arg0: i32) -> (i32, i32) {
    %c0_i32 = arith.constant 0 : i32
    %c0_i32_0 = arith.constant 0 : i32
    %c0_i32_1 = arith.constant 0 : i32
    return %c0_i32, %c0_i32_0 : i32, i32
  }
  func.func @transform_1(%arg0: i32) -> (i32, i32, i32) {
    %c0_i32 = arith.constant 0 : i32
    %c0_i32_0 = arith.constant 0 : i32
    %c0_i32_1 = arith.constant 0 : i32
    return %arg0, %c0_i32, %c0_i32_0 : i32, i32, i32
  }
  func.func @transform_2(%arg0: i32) -> (i32, i32, i32) {
    %c0_i32 = arith.constant 0 : i32
    %c0_i32_0 = arith.constant 0 : i32
    %c0_i32_1 = arith.constant 0 : i32
    return %arg0, %c0_i32, %c0_i32_0 : i32, i32, i32
  }
}

module attributes {stable_mosaic.version = 14 : i64} {
  func.func @_bf_body(%arg0: i32, %arg1: i32, %arg2: memref<2x2000x64xbf16, #tpu.memory_space<vmem>>, %arg3: memref<1x1x64xf32, #tpu.memory_space<vmem>>, %arg4: memref<64x32xf32, #tpu.memory_space<vmem>>, %arg5: memref<1x32xf32, #tpu.memory_space<vmem>>, %arg6: memref<32x1xf32, #tpu.memory_space<vmem>>, %arg7: memref<3x1xf32, #tpu.memory_space<vmem>>, %arg8: memref<3x1xf32, #tpu.memory_space<vmem>>, %arg9: memref<3x1xf32, #tpu.memory_space<vmem>>, %arg10: memref<1x2000x64xf32, #tpu.memory_space<vmem>>, %arg11: memref<3x10000x64xf32, #tpu.memory_space<vmem>>, %arg12: memref<3xf32, #tpu.memory_space<smem>>) attributes {dimension_semantics = [#tpu.dimension_semantics<arbitrary>, #tpu.dimension_semantics<arbitrary>], iteration_bounds = array<i64: 4, 5>, scalar_prefetch = 0 : i64, scratch_operands = 2 : i64, tpu.core_type = #tpu.core_type<tc>, window_params = [{transform_indices = @transform_0, window_bounds = array<i64: 2, 2000, 64>}, {transform_indices = @transform_1, window_bounds = array<i64: 1, 1, 64>}, {pipeline_mode = #tpu.pipeline_mode<synchronous>, transform_indices = @transform_2, window_bounds = array<i64: 64, 32>}, {pipeline_mode = #tpu.pipeline_mode<synchronous>, transform_indices = @transform_3, window_bounds = array<i64: 1, 32>}, {pipeline_mode = #tpu.pipeline_mode<synchronous>, transform_indices = @transform_4, window_bounds = array<i64: 32, 1>}, {pipeline_mode = #tpu.pipeline_mode<synchronous>, transform_indices = @transform_5, window_bounds = array<i64: 3, 1>}, {pipeline_mode = #tpu.pipeline_mode<synchronous>, transform_indices = @transform_6, window_bounds = array<i64: 3, 1>}, {pipeline_mode = #tpu.pipeline_mode<synchronous>, transform_indices = @transform_7, window_bounds = array<i64: 3, 1>}, {transform_indices = @transform_8, window_bounds = array<i64: 1, 2000, 64>}]} {
    %lt3A = arith.constant 3 : i32
    %lt3A_0 = arith.cmpi slt, %arg0, %lt3A : i32
    %convert_element_type3A = arith.extui %lt3A_0 : i1 to i32
    %cond3A = arith.constant 0 : i32
    %cond3A_1 = arith.cmpi ne, %convert_element_type3A, %cond3A : i32
    scf.if %cond3A_1 {
      %get3A = arith.constant 0 : index
      %get3A_6 = arith.constant 0 : index
      %get3A_7 = arith.constant 0 : index
      %get3A_8 = vector.load %arg2[%get3A, %get3A_6, %get3A_7] : memref<2x2000x64xbf16, #tpu.memory_space<vmem>>, vector<1x2000x64xbf16>
      %get3A_9 = vector.shape_cast %get3A_8 : vector<1x2000x64xbf16> to vector<2000x64xbf16>
      %convert_element_type3A_10 = arith.extf %get3A_9 : vector<2000x64xbf16> to vector<2000x64xf32>
      %get3A_11 = arith.constant 1 : index
      %get3A_12 = arith.constant 0 : index
      %get3A_13 = arith.constant 0 : index
      %get3A_14 = vector.load %arg2[%get3A_11, %get3A_12, %get3A_13] : memref<2x2000x64xbf16, #tpu.memory_space<vmem>>, vector<1x2000x64xbf16>
      %get3A_15 = vector.shape_cast %get3A_14 : vector<1x2000x64xbf16> to vector<2000x64xbf16>
      %convert_element_type3A_16 = arith.extf %get3A_15 : vector<2000x64xbf16> to vector<2000x64xf32>
      %add3A = arith.addf %convert_element_type3A_10, %convert_element_type3A_16 : vector<2000x64xf32>
      %get3A_17 = arith.constant 0 : index
      %get3A_18 = arith.constant 0 : index
      %get3A_19 = arith.constant 0 : index
      %get3A_20 = vector.load %arg3[%get3A_17, %get3A_18, %get3A_19] : memref<1x1x64xf32, #tpu.memory_space<vmem>>, vector<1x1x64xf32>
      %get3A_21 = vector.shape_cast %get3A_20 : vector<1x1x64xf32> to vector<1x64xf32>
      %add3A_22 = vector.broadcast %get3A_21 : vector<1x64xf32> to vector<2000x64xf32>
      %add3A_23 = arith.addf %add3A, %add3A_22 : vector<2000x64xf32>
      %max3A = arith.constant 0.000000e+00 : f32
      %max3A_24 = vector.broadcast %max3A : f32 to vector<2000x64xf32>
      %max3A_25 = arith.maximumf %add3A_23, %max3A_24 : vector<2000x64xf32>
      %mul3A = arith.constant 2000 : i32
      %mul3A_26 = arith.muli %arg1, %mul3A : i32
      %swap3A = arith.index_cast %arg0 : i32 to index
      %swap3A_27 = arith.index_cast %mul3A_26 : i32 to index
      %swap3A_28 = arith.constant 0 : index
      %swap3A_29 = vector.load %arg11[%swap3A, %swap3A_27, %swap3A_28] : memref<3x10000x64xf32, #tpu.memory_space<vmem>>, vector<1x2000x64xf32>
      %swap3A_30 = vector.shape_cast %swap3A_29 : vector<1x2000x64xf32> to vector<2000x64xf32>
      %swap3A_31 = vector.shape_cast %max3A_25 : vector<2000x64xf32> to vector<1x2000x64xf32>
      tpu.vector_store %arg11[%swap3A, %swap3A_27, %swap3A_28], %swap3A_31 {strides = array<i32>} : memref<3x10000x64xf32, #tpu.memory_space<vmem>>, vector<1x2000x64xf32>,
      %get3A_32 = arith.constant 0 : index
      %get3A_33 = arith.constant 0 : index
      %get3A_34 = vector.load %arg4[%get3A_32, %get3A_33] : memref<64x32xf32, #tpu.memory_space<vmem>>, vector<64x32xf32>
      %dot_general3A = arith.constant dense<0.000000e+00> : vector<2000x32xf32>
      %dot_general3A_35 = tpu.matmul %max3A_25, %get3A_34, %dot_general3A {dimension_numbers = #tpu.dot_dimension_numbers<[1], [0], [0], [1], [0, 0, 1, 1], [], []>, transpose_lhs_hint = false} : vector<2000x64xf32>, vector<64x32xf32>, vector<2000x32xf32> -> vector<2000x32xf32>
      %get3A_36 = arith.constant 0 : index
      %get3A_37 = arith.constant 0 : index
      %get3A_38 = vector.load %arg5[%get3A_36, %get3A_37] : memref<1x32xf32, #tpu.memory_space<vmem>>, vector<1x32xf32>
      %add3A_39 = vector.broadcast %get3A_38 : vector<1x32xf32> to vector<2000x32xf32>
      %add3A_40 = arith.addf %dot_general3A_35, %add3A_39 : vector<2000x32xf32>
      %tanh3A = math.tanh %add3A_40 : vector<2000x32xf32>
      %get3A_41 = arith.constant 0 : index
      %get3A_42 = arith.constant 0 : index
      %get3A_43 = vector.load %arg6[%get3A_41, %get3A_42] : memref<32x1xf32, #tpu.memory_space<vmem>>, vector<32x1xf32>
      %dot_general3A_44 = arith.constant dense<0.000000e+00> : vector<2000x1xf32>
      %dot_general3A_45 = tpu.matmul %tanh3A, %get3A_43, %dot_general3A_44 {dimension_numbers = #tpu.dot_dimension_numbers<[1], [0], [0], [1], [0, 0, 1, 1], [], []>, transpose_lhs_hint = false} : vector<2000x32xf32>, vector<32x1xf32>, vector<2000x1xf32> -> vector<2000x1xf32>
      %eq3A_46 = arith.constant 0 : i32
      %eq3A_47 = arith.cmpi eq, %arg1, %eq3A_46 : i32
      %convert_element_type3A_48 = arith.extui %eq3A_47 : i1 to i32
      %cond3A_49 = arith.constant 0 : i32
      %cond3A_50 = arith.cmpi ne, %convert_element_type3A_48, %cond3A_49 : i32
      scf.if %cond3A_50 {
        %swap3A_60 = arith.constant 0.000000e+00 : f32
        %swap3A_61 = arith.index_cast %arg0 : i32 to index
        %swap3A_62 = memref.load %arg12[%swap3A_61] : memref<3xf32, #tpu.memory_space<smem>>
        memref.store %swap3A_60, %arg12[%swap3A_61] : memref<3xf32, #tpu.memory_space<smem>>
      } else {
      }
      %get3A_51 = arith.index_cast %arg0 : i32 to index
      %get3A_52 = memref.load %arg12[%get3A_51] : memref<3xf32, #tpu.memory_space<smem>>
      %reduce_sum3A = vector.shape_cast %dot_general3A_45 : vector<2000x1xf32> to vector<1x2000x1xf32>
      %reduce_sum3A_53 = arith.constant dense<0.000000e+00> : vector<1xf32>
      %reduce_sum3A_54 = vector.multi_reduction <add>, %reduce_sum3A, %reduce_sum3A_53 [1, 2] : vector<1x2000x1xf32> to vector<1xf32>
      %reduce_sum3A_55 = vector.shape_cast %reduce_sum3A_54 : vector<1xf32> to vector<1x1x1xf32>
      %reduce_sum3A_56 = vector.extract %reduce_sum3A_55[0, 0, 0] : f32 from vector<1x1x1xf32>
      %add3A_57 = arith.addf %get3A_52, %reduce_sum3A_56 : f32
      %swap3A_58 = arith.index_cast %arg0 : i32 to index
      %swap3A_59 = memref.load %arg12[%swap3A_58] : memref<3xf32, #tpu.memory_space<smem>>
      memref.store %add3A_57, %arg12[%swap3A_58] : memref<3xf32, #tpu.memory_space<smem>>
    } else {
    }
    %eq3A = arith.constant 3 : i32
    %eq3A_2 = arith.cmpi eq, %arg0, %eq3A : i32
    %convert_element_type3A_3 = arith.extui %eq3A_2 : i1 to i32
    %cond3A_4 = arith.constant 0 : i32
    %cond3A_5 = arith.cmpi ne, %convert_element_type3A_3, %cond3A_4 : i32
    scf.if %cond3A_5 {
      %get3A = arith.constant 0 : index
      %get3A_6 = memref.load %arg12[%get3A] : memref<3xf32, #tpu.memory_space<smem>>
      %get3A_7 = arith.constant 1 : index
      %get3A_8 = memref.load %arg12[%get3A_7] : memref<3xf32, #tpu.memory_space<smem>>
      %get3A_9 = arith.constant 2 : index
      %get3A_10 = memref.load %arg12[%get3A_9] : memref<3xf32, #tpu.memory_space<smem>>
      %stack3A = vector.broadcast %get3A_6 : f32 to vector<1xf32>
      %stack3A_11 = vector.broadcast %get3A_8 : f32 to vector<1xf32>
      %stack3A_12 = vector.broadcast %get3A_10 : f32 to vector<1xf32>
      %stack3A_13 = tpu.concatenate %stack3A, %stack3A_11, %stack3A_12 in 0 : vector<1xf32>, vector<1xf32>, vector<1xf32> -> vector<3xf32>
      %reshape3A = vector.shape_cast %stack3A_13 : vector<3xf32> to vector<3x1xf32>
      %mul3A = arith.constant 9.99999974E-5 : f32
      %mul3A_14 = vector.broadcast %mul3A : f32 to vector<3x1xf32>
      %mul3A_15 = arith.mulf %reshape3A, %mul3A_14 : vector<3x1xf32>
      %get3A_16 = arith.constant 0 : index
      %get3A_17 = arith.constant 0 : index
      %get3A_18 = vector.load %arg7[%get3A_16, %get3A_17] : memref<3x1xf32, #tpu.memory_space<vmem>>, vector<3x1xf32>
      %mul3A_19 = arith.mulf %mul3A_15, %get3A_18 : vector<3x1xf32>
      %reduce_max3A = vector.shape_cast %mul3A_19 : vector<3x1xf32> to vector<1x3x1xf32>
      %reduce_max3A_20 = arith.constant dense<0xFF800000> : vector<1xf32>
      %reduce_max3A_21 = vector.multi_reduction <maximumf>, %reduce_max3A, %reduce_max3A_20 [1, 2] : vector<1x3x1xf32> to vector<1xf32>
      %reduce_max3A_22 = vector.shape_cast %reduce_max3A_21 : vector<1xf32> to vector<1x1x1xf32>
      %reduce_max3A_23 = vector.extract %reduce_max3A_22[0, 0, 0] : f32 from vector<1x1x1xf32>
      %sub3A = vector.broadcast %reduce_max3A_23 : f32 to vector<3x1xf32>
      %sub3A_24 = arith.subf %mul3A_19, %sub3A : vector<3x1xf32>
      %exp3A = math.exp %sub3A_24 : vector<3x1xf32>
      %reduce_sum3A = vector.shape_cast %exp3A : vector<3x1xf32> to vector<1x3x1xf32>
      %reduce_sum3A_25 = arith.constant dense<0.000000e+00> : vector<1xf32>
      %reduce_sum3A_26 = vector.multi_reduction <add>, %reduce_sum3A, %reduce_sum3A_25 [1, 2] : vector<1x3x1xf32> to vector<1xf32>
      %reduce_sum3A_27 = vector.shape_cast %reduce_sum3A_26 : vector<1xf32> to vector<1x1x1xf32>
      %reduce_sum3A_28 = vector.extract %reduce_sum3A_27[0, 0, 0] : f32 from vector<1x1x1xf32>
      %div3A = vector.broadcast %reduce_sum3A_28 : f32 to vector<3x1xf32>
      %div3A_29 = arith.divf %exp3A, %div3A : vector<3x1xf32>
      %slice3A = vector.extract_strided_slice %div3A_29 {offsets = [0, 0], sizes = [1, 1], strides = [1, 1]} : vector<3x1xf32> to vector<1x1xf32>
      %squeeze3A = vector.extract %slice3A[0, 0] : f32 from vector<1x1xf32>
      %mul3A_30 = arith.constant 2000 : i32
      %mul3A_31 = arith.muli %arg1, %mul3A_30 : i32
      %get3A_32 = arith.constant 0 : index
      %get3A_33 = arith.index_cast %mul3A_31 : i32 to index
      %get3A_34 = arith.constant 0 : index
      %get3A_35 = vector.load %arg11[%get3A_32, %get3A_33, %get3A_34] : memref<3x10000x64xf32, #tpu.memory_space<vmem>>, vector<1x2000x64xf32>
      %get3A_36 = vector.shape_cast %get3A_35 : vector<1x2000x64xf32> to vector<2000x64xf32>
      %mul3A_37 = vector.broadcast %squeeze3A : f32 to vector<2000x64xf32>
      %mul3A_38 = arith.mulf %mul3A_37, %get3A_36 : vector<2000x64xf32>
      %slice3A_39 = vector.extract_strided_slice %div3A_29 {offsets = [1, 0], sizes = [1, 1], strides = [1, 1]} : vector<3x1xf32> to vector<1x1xf32>
      %squeeze3A_40 = vector.extract %slice3A_39[0, 0] : f32 from vector<1x1xf32>
      %mul3A_41 = arith.constant 2000 : i32
      %mul3A_42 = arith.muli %arg1, %mul3A_41 : i32
      %get3A_43 = arith.constant 1 : index
      %get3A_44 = arith.index_cast %mul3A_42 : i32 to index
      %get3A_45 = arith.constant 0 : index
      %get3A_46 = vector.load %arg11[%get3A_43, %get3A_44, %get3A_45] : memref<3x10000x64xf32, #tpu.memory_space<vmem>>, vector<1x2000x64xf32>
      %get3A_47 = vector.shape_cast %get3A_46 : vector<1x2000x64xf32> to vector<2000x64xf32>
      %mul3A_48 = vector.broadcast %squeeze3A_40 : f32 to vector<2000x64xf32>
      %mul3A_49 = arith.mulf %mul3A_48, %get3A_47 : vector<2000x64xf32>
      %add3A = arith.addf %mul3A_38, %mul3A_49 : vector<2000x64xf32>
      %slice3A_50 = vector.extract_strided_slice %div3A_29 {offsets = [2, 0], sizes = [1, 1], strides = [1, 1]} : vector<3x1xf32> to vector<1x1xf32>
      %squeeze3A_51 = vector.extract %slice3A_50[0, 0] : f32 from vector<1x1xf32>
      %mul3A_52 = arith.constant 2000 : i32
      %mul3A_53 = arith.muli %arg1, %mul3A_52 : i32
      %get3A_54 = arith.constant 2 : index
      %get3A_55 = arith.index_cast %mul3A_53 : i32 to index
      %get3A_56 = arith.constant 0 : index
      %get3A_57 = vector.load %arg11[%get3A_54, %get3A_55, %get3A_56] : memref<3x10000x64xf32, #tpu.memory_space<vmem>>, vector<1x2000x64xf32>
      %get3A_58 = vector.shape_cast %get3A_57 : vector<1x2000x64xf32> to vector<2000x64xf32>
      %mul3A_59 = vector.broadcast %squeeze3A_51 : f32 to vector<2000x64xf32>
      %mul3A_60 = arith.mulf %mul3A_59, %get3A_58 : vector<2000x64xf32>
      %add3A_61 = arith.addf %add3A, %mul3A_60 : vector<2000x64xf32>
      %swap3A = arith.constant 0 : index
      %swap3A_62 = arith.constant 0 : index
      %swap3A_63 = arith.constant 0 : index
      %swap3A_64 = vector.load %arg10[%swap3A, %swap3A_62, %swap3A_63] : memref<1x2000x64xf32, #tpu.memory_space<vmem>>, vector<1x2000x64xf32>
      %swap3A_65 = vector.shape_cast %swap3A_64 : vector<1x2000x64xf32> to vector<2000x64xf32>
      %swap3A_66 = vector.shape_cast %add3A_61 : vector<2000x64xf32> to vector<1x2000x64xf32>
      tpu.vector_store %arg10[%swap3A, %swap3A_62, %swap3A_63], %swap3A_66 {strides = array<i32>} : memref<1x2000x64xf32, #tpu.memory_space<vmem>>, vector<1x2000x64xf32>,
      %eq3A_67 = arith.constant 0 : i32
      %eq3A_68 = arith.cmpi eq, %arg1, %eq3A_67 : i32
      %convert_element_type3A_69 = arith.extui %eq3A_68 : i1 to i32
      %cond3A_70 = arith.constant 0 : i32
      %cond3A_71 = arith.cmpi ne, %convert_element_type3A_69, %cond3A_70 : i32
      scf.if %cond3A_71 {
        %swap3A_72 = arith.constant 0 : index
        %swap3A_73 = arith.constant 0 : index
        %swap3A_74 = vector.load %arg8[%swap3A_72, %swap3A_73] : memref<3x1xf32, #tpu.memory_space<vmem>>, vector<3x1xf32>
        tpu.vector_store %arg8[%swap3A_72, %swap3A_73], %mul3A_15 {strides = array<i32>} : memref<3x1xf32, #tpu.memory_space<vmem>>, vector<3x1xf32>,
        %swap3A_75 = arith.constant 0 : index
        %swap3A_76 = arith.constant 0 : index
        %swap3A_77 = vector.load %arg9[%swap3A_75, %swap3A_76] : memref<3x1xf32, #tpu.memory_space<vmem>>, vector<3x1xf32>
        tpu.vector_store %arg9[%swap3A_75, %swap3A_76], %div3A_29 {strides = array<i32>} : memref<3x1xf32, #tpu.memory_space<vmem>>, vector<3x1xf32>,
      } else {
      }
    } else {
    }
    return
  }
  func.func @transform_0(%arg0: i32, %arg1: i32) -> (i32, i32, i32) {
    %min3A = arith.constant 2 : i32
    %min3A_0 = arith.minsi %arg0, %min3A : i32
    %mul3A = arith.constant 5 : i32
    %mul3A_1 = arith.muli %min3A_0, %mul3A : i32
    %add3A = arith.addi %mul3A_1, %arg1 : i32
    %c0_i32 = arith.constant 0 : i32
    %c0_i32_2 = arith.constant 0 : i32
    %c0_i32_3 = arith.constant 0 : i32
    return %c0_i32, %add3A, %c0_i32_2 : i32, i32, i32
  }
  func.func @transform_1(%arg0: i32, %arg1: i32) -> (i32, i32, i32) {
    %min3A = arith.constant 2 : i32
    %min3A_0 = arith.minsi %arg0, %min3A : i32
    %c0_i32 = arith.constant 0 : i32
    %c0_i32_1 = arith.constant 0 : i32
    %c0_i32_2 = arith.constant 0 : i32
    return %min3A_0, %c0_i32, %c0_i32_1 : i32, i32, i32
  }
  func.func @transform_2(%arg0: i32, %arg1: i32) -> (i32, i32) {
    %c0_i32 = arith.constant 0 : i32
    %c0_i32_0 = arith.constant 0 : i32
    %c0_i32_1 = arith.constant 0 : i32
    return %c0_i32, %c0_i32_0 : i32, i32
  }
  func.func @transform_3(%arg0: i32, %arg1: i32) -> (i32, i32) {
    %c0_i32 = arith.constant 0 : i32
    %c0_i32_0 = arith.constant 0 : i32
    %c0_i32_1 = arith.constant 0 : i32
    return %c0_i32, %c0_i32_0 : i32, i32
  }
  func.func @transform_4(%arg0: i32, %arg1: i32) -> (i32, i32) {
    %c0_i32 = arith.constant 0 : i32
    %c0_i32_0 = arith.constant 0 : i32
    %c0_i32_1 = arith.constant 0 : i32
    return %c0_i32, %c0_i32_0 : i32, i32
  }
  func.func @transform_5(%arg0: i32, %arg1: i32) -> (i32, i32) {
    %c0_i32 = arith.constant 0 : i32
    %c0_i32_0 = arith.constant 0 : i32
    %c0_i32_1 = arith.constant 0 : i32
    return %c0_i32, %c0_i32_0 : i32, i32
  }
  func.func @transform_6(%arg0: i32, %arg1: i32) -> (i32, i32) {
    %c0_i32 = arith.constant 0 : i32
    %c0_i32_0 = arith.constant 0 : i32
    %c0_i32_1 = arith.constant 0 : i32
    return %c0_i32, %c0_i32_0 : i32, i32
  }
  func.func @transform_7(%arg0: i32, %arg1: i32) -> (i32, i32) {
    %c0_i32 = arith.constant 0 : i32
    %c0_i32_0 = arith.constant 0 : i32
    %c0_i32_1 = arith.constant 0 : i32
    return %c0_i32, %c0_i32_0 : i32, i32
  }
  func.func @transform_8(%arg0: i32, %arg1: i32) -> (i32, i32, i32) {
    %c0_i32 = arith.constant 0 : i32
    %c0_i32_0 = arith.constant 0 : i32
    %c0_i32_1 = arith.constant 0 : i32
    return %c0_i32, %arg1, %c0_i32_0 : i32, i32, i32
  }
}

</mosaic_0001>

<sc_bundles>
// kernel: kernel.5.cloned.1.call-start
scs
__scs_entry_jumppad:
0x0: {  	(pc) =	sbr.rel $0x88, $3  }
0x1: {  	(tag) =	ssettag $0x0;
	lr =	simm.s32 $0x1  }
0x2: {  	[smem:$0x3F94] =	sst lr;
	_ =	strace $0xD0000000  }
0x3: {  	_ = 	snop  }
0x4: {  	_ = 	snop  }
0x5: {  	_ = 	snop  }
0x6: {  	_ = 	snop  }
0x7: {  	_ = 	snop  }
__scs_overlays_trampoline_lowered:
0x8: {  	[smem:$0x3FA3] =	sst s0  }
0x9: {  	[smem:$0x3FA4] =	sst s1  }
0xa: {  	[smem:$0x3FA5] =	sst s2  }
0xb: {  	[smem:$0x3FA6] =	sst s3  }
0xc: {  	[smem:$0x3FA7] =	sst s4  }
0xd: {  	[smem:$0x3FA8] =	sst s5  }
0xe: {  	[smem:$0x3FA9] =	sst s6  }
0xf: {  	[smem:$0x3FAA] =	sst s7  }
0x10: {  	[smem:$0x3FAB] =	sst s8  }
0x11: {  	[smem:$0x3FAC] =	sst s9;
	s0 =	simm.s32 @!p0 $0x0  }
0x12: {  	s1 =	sld [smem:$0x3F92];
	s0 =	simm.s32 @p0 $0x1  }
0x13: {  	[smem:$0x3FAD] =	sst s0;
	s0 =	simm.s32 @!p1 $0x0  }
0x14: {  	s2 =	sld [smem:$0x3F91];
	s0 =	simm.s32 @p1 $0x1  }
0x15: {  	[smem:$0x3FAE] =	sst s0;
	s0 =	simm.s32 @!p2 $0x0  }
0x16: {  	s3 =	sld [smem:$0x3FDB];
	s0 =	simm.s32 @p2 $0x1  }
0x17: {  	s4 =	simm.s32 $0x1BF5;
	[smem:$0x3FB0] =	sst s0  }
0x18: {  	s0 =	sld [smem:$0x3F93];
	_ =	swait.ge [sflag:s4], $0x0  }
0x19: {  	s7 =	sld [smem:$0x3F94]  }
0x1a: {  	s8 =	sadd.s32 $0xFFFFE003, lr  }
0x1b: {  	s9 =	sadd.s32 $0xFFFFFEF7, lr;
	s5 =	simm.s32 $0xFFFFFFFF;
	p2 =	slt.u32 s8, $0xFFFFF086  }
0x1c: {  	p1 =	slt.u32 s9, $0xF7A;
	s5 =	simm.s32 @!p2 $0x0  }
0x1d: {  	s5 =	simm.s32 @p1 $0x1;
	p0 =	seq.s32 s7, s2  }
0x1e: {  	s7 =	smul.u32 @!p0 $0xF7A, s2;
	p2 =	seq.s32 @!p0 s5, $0x0  }
0x1f: {  	s9 =	smul.u32 $0xF7A, s1;
	s8 =	simm.s32 @!p0 $0x1BF5;
	p2 =	por !p2, p0  }
0x20: {  	[sflag:s8] =	ssyncset.s32 @!p0 $0xFFFFF086;
	s6 =	sadd.s32 @!p0 s3, s7;
	s7 =	simm.s32 @!p0 $0x108  }
0x21: {  	s3 =	sadd.s32 s3, s9;
	s6 =	sadd.s32 @!p0 $0x88, s6;
	s7 =	simm.s32 @p2 $0x1082  }
0x22: {  	[simem:s7], [sflag:s8] =	dma.local @!p0 [hbm:s6], $0xF7A  }
0x23: {  	s9 =	sor.u32 $0xD0000000, s2;
	s6 =	simm.s32 $0x108;
	_ =	swait.ge @!p0 [sflag:s8], $0x0  }
0x24: {  	s3 =	sadd.s32 $0x88, s3;
	s6 =	simm.s32 @!p1 $0x1082;
	[sflag:s4] =	ssyncset.s32 $0xFFFFF086  }
0x25: {  	[simem:s6], [sflag:s4] =	dma.local [hbm:s3], $0xF7A  }
0x26: {  	[smem:$0x3F94] =	sst s1;
	(tag) =	ssettag s2;
	_ =	strace s9  }
0x27: {  	s1 =	sld [smem:$0x3FA4]  }
0x28: {  	s2 =	sld [smem:$0x3FA5]  }
0x29: {  	s4 =	sld [smem:$0x3FA7]  }
0x2a: {  	p0 =	seq.s32 s5, $0x0;
	s5 =	sld [smem:$0x3FA8]  }
0x2b: {  	s6 =	sld [smem:$0x3FA9]  }
0x2c: {  	s7 =	sld [smem:$0x3FAA]  }
0x2d: {  	s3 =	simm.s32 $0x108;
	s8 =	sld [smem:$0x3FAB]  }
0x2e: {  	s3 =	simm.s32 @!p0 $0x1082;
	s9 =	sld [smem:$0x3FAC]  }
0x2f: {  	lr =	sadd.s32 s0, s3;
	s0 =	sld [smem:$0x3FA3]  }
0x30: {  	s3 =	sld [smem:$0x3FA6]  }
0x31: {  	[smem:$0x3FAF] =	sst s10  }
0x32: {  	s10 =	sld [smem:$0x3FAD];
	_ =	sdelay $0x3  }
0x33: {  	p0 =	seq.s32 s10, $0x1;
	s10 =	sld [smem:$0x3FAF];
	_ =	sdelay $0x3  }
0x34: {  	[smem:$0x3FAF] =	sst s10  }
0x35: {  	s10 =	sld [smem:$0x3FAE];
	_ =	sdelay $0x3  }
0x36: {  	p1 =	seq.s32 s10, $0x1;
	s10 =	sld [smem:$0x3FAF];
	_ =	sdelay $0x3  }
0x37: {  	[smem:$0x3FAF] =	sst s10  }
0x38: {  	s10 =	sld [smem:$0x3FB0]  }
0x39: {  	_ = 	snop;
	(pc) =	sbr.ind lr, $3  }
0x3a: {  	_ = 	snop  }
0x3b: {  	_ = 	snop  }
0x3c: {  	p2 =	seq.s32 s10, $0x1;
	s10 =	sld [smem:$0x3FAF]  }
0x3d: {  	_ =	shalt  }
0x3e: {  	_ =	shalt  }
0x3f: {  	_ =	shalt  }
0x40: {  	_ =	shalt  }
0x41: {  	_ =	shalt  }
0x42: {  	_ =	shalt  }
0x43: {  	_ =	shalt  }
0x44: {  	_ =	shalt  }
0x45: {  	_ =	shalt  }
0x46: {  	_ =	shalt  }
0x47: {  	_ =	shalt  }
0x48: {  	_ =	shalt  }
0x49: {  	_ =	shalt  }
0x4a: {  	_ =	shalt  }
0x4b: {  	_ =	shalt  }
0x4c: {  	_ =	shalt  }
0x4d: {  	_ =	shalt  }
0x4e: {  	_ =	shalt  }
0x4f: {  	_ =	shalt  }
0x50: {  	_ =	shalt  }
0x51: {  	_ =	shalt  }
0x52: {  	_ =	shalt  }
0x53: {  	_ =	shalt  }
0x54: {  	_ =	shalt  }
0x55: {  	_ =	shalt  }
0x56: {  	_ =	shalt  }
0x57: {  	_ =	shalt  }
0x58: {  	_ =	shalt  }
0x59: {  	_ =	shalt  }
0x5a: {  	_ =	shalt  }
0x5b: {  	_ =	shalt  }
0x5c: {  	_ =	shalt  }
0x5d: {  	_ =	shalt  }
0x5e: {  	_ =	shalt  }
0x5f: {  	_ =	shalt  }
0x60: {  	_ =	shalt  }
0x61: {  	_ =	shalt  }
0x62: {  	_ =	shalt  }
0x63: {  	_ =	shalt  }
0x64: {  	_ =	shalt  }
0x65: {  	_ =	shalt  }
0x66: {  	_ =	shalt  }
0x67: {  	_ =	shalt  }
0x68: {  	_ =	shalt  }
0x69: {  	_ =	shalt  }
0x6a: {  	_ =	shalt  }
0x6b: {  	_ =	shalt  }
0x6c: {  	_ =	shalt  }
0x6d: {  	_ =	shalt  }
0x6e: {  	_ =	shalt  }
0x6f: {  	_ =	shalt  }
0x70: {  	_ =	shalt  }
0x71: {  	_ =	shalt  }
0x72: {  	_ =	shalt  }
0x73: {  	_ =	shalt  }
0x74: {  	_ =	shalt  }
0x75: {  	_ =	shalt  }
0x76: {  	_ =	shalt  }
0x77: {  	_ =	shalt  }
0x78: {  	_ =	shalt  }
0x79: {  	_ =	shalt  }
0x7a: {  	_ =	shalt  }
0x7b: {  	_ =	shalt  }
0x7c: {  	_ =	shalt  }
0x7d: {  	_ =	shalt  }
0x7e: {  	_ =	shalt  }
0x7f: {  	_ =	shalt  }
0x80: {  	_ =	shalt  }
0x81: {  	_ =	shalt  }
0x82: {  	_ =	shalt  }
0x83: {  	_ =	shalt  }
0x84: {  	_ =	shalt  }
0x85: {  	_ =	shalt  }
0x86: {  	_ =	shalt  }
0x87: {  	_ =	shalt  }
.Lfunc_end0:
.L_simem_size_0:
called_computation_lowered:
.L_overlay_start_0:
0x88: {  	s2 =	sld [smem:$0x3FD9]  }
0x89: {  	s3 =	sld [smem:$0x3FFE];
	_ =	sdelay $0x1  }
0x8a: {  	s1 =	srdreg.scid  }
0x8b: {  	s0 =	sand.u32 $0x1, s1  }
0x8c: {  	s14 =	sshll.u32 s0, $0xA;
	s2 =	sadd.s32 s3, s2  }
0x8d: {  	s2 =	sadd.s32 s2, s14  }
0x8e: {  	[smem:$0x3FBB] =	sst s2  }
0x8f: {  	_ = 	snop  }
0x90: {  	s2 =	sld [smem:$0x3FD0];
	_ =	sdelay $0x2  }
0x91: {  	s15 =	simm.s32 $0xA;
	s4 =	simm.s32 $0x10  }
0x92: {  	[smem:s4], [sflag:s15] =	dma.local [hbm:s2], $0x1  }
0x93: {  	_ =	swait.eq [sflag:s15], $0x1  }
0x94: {  	[sflag:s15] =	ssyncset.done $0x0  }
0x95: {  	[sflag:s15] =	ssyncadd.s32 $0xFFFFFFFF  }
0x96: {  	s16 =	sld [smem:$0x12];
	(tm) =	ssettm $0x1  }
0x97: {  	s17 =	sld [smem:$0x3FFB];
	_ =	sdelay $0x3  }
0x98: {  	_ =	strace s17  }
0x99: {  	s3 =	sld [smem:$0x3FFC];
	_ =	sdelay $0x3  }
0x9a: {  	_ =	strace s3  }
0x9b: {  	s3 =	sld [smem:$0x3FFD];
	_ =	sdelay $0x3  }
0x9c: {  	_ =	strace s3  }
0x9d: {  	_ =	strace $0x8FFFFFFF  }
0x9e: {  	s18 =	sld [smem:$0x3FDB];
	_ =	sdelay $0x1  }
0x9f: {  	s19 =	simm.s32 $_scs_section_size  }
0xa0: {  	s5 =	simm.s32 $_size__tile_overlayer_lowered;
	s6 =	simm.s32 $_tile_overlayer_lowered  }
0xa1: {  	s22 =	simm.s32 $0x1BFF;
	s21 =	sshll.u32 s6, $0x1;
	s3 =	sadd.s32 s19, s18  }
0xa2: {  	s7 =	simm.s32 $0x0;
	s20 =	sshll.u32 s5, $0x1;
	s5 =	sadd.s32 s21, s3  }
0xa3: {  	[timem:s7], [sflag:s22] =	dma.local [hbm:s5], s20  }
0xa4: {  	_ =	swait.ge [sflag:s22], s20  }
0xa5: {  	s4 =	ssub.s32 $0x0, s20;
	[sflag:s22] =	ssyncset.done $0x0  }
0xa6: {  	[sflag:s22] =	ssyncadd.s32 s4;
	_ =	sdelay $0x1  }
0xa7: {  	s23 =	simm.s32 $0x1B8B  }
0xa8: {  	_ =	swait.ge [sflag:s23], $0x1  }
0xa9: {  	[sflag:s23] =	ssyncset.done $0x0  }
0xaa: {  	s25 =	simm.s32 $0x1B8E;
	s24 =	sld [smem:$0x3FFE];
	[sflag:s23] =	ssyncadd.s32 $0xFFFFFFFF  }
0xab: {  	s26 =	simm.s32 $execute0_lowered;
	[smem:$0x3FD2] =	sst s25  }
0xac: {  	s5 =	sshll.u32 s26, $0x1;
	_ =	strace $0x80000046;
	[dreg:$0x1] =	wrdreg $0xFFFFFFFF  }
0xad: {  	s28 =	simm.s32 $_size_execute0_lowered;
	s3 =	sadd.s32 s3, s5;
	[dreg:$0x0] =	wrdreg $0x0  }
0xae: {  	s5 =	sshll.u32 s28, $0x1;
	[dreg:$0x2] =	wrdreg s3  }
0xaf: {  	[dreg:$0x3] =	wrdreg s5  }
0xb0: {  	[dreg:$0x4] =	wrdreg $0xC0  }
0xb1: {  	_ =	task [dreg:s7], $0x5FFFF  }
0xb2: {  	[dreg:$0x1] =	wrdreg $0xFFFFFFFF  }
0xb3: {  	[dreg:$0x0] =	wrdreg $0x60  }
0xb4: {  	[dreg:$0x2] =	wrdreg s24  }
0xb5: {  	[dreg:$0x3] =	wrdreg s16  }
0xb6: {  	[dreg:$0x4] =	wrdreg $0x28000  }
0xb7: {  	[dreg:$0x5] =	wrdreg $0x112600  }
0xb8: {  	[dreg:$0x6] =	wrdreg $0x9  }
0xb9: {  	_ =	task.clear_ibuf [dreg:s7], $0x7FFFF;
	_ =	strace $0x90000046  }
0xba: {  	s29 =	simm.s32 $0x9;
	_ =	strace $0x80000048  }
0xbb: {  	_ =	swait.ge [sflag:s29], $0x1  }
0xbc: {  	[sflag:s29] =	ssyncadd.s32 $0xFFFFFFFF  }
0xbd: {  	_ =	strace $0x90000048  }
0xbe: {  	_ =	sfence  }
0xbf: {  	s30 =	sld [smem:$0x0];
	_ =	sdelay $0x2  }
0xc0: {  	s31 =	sshll.u32 s1, $0xD;
	s1 =	sshrl.u32 s1, $0x2  }
0xc1: {  	s3 =	sand.u32 $0x4000, s31;
	s1 =	sadd.s32 s1, s30  }
0xc2: {  	s0 =	sor.u32 s3, s0;
	s1 =	sshll.u32 s1, $0x11  }
0xc3: {  	s0 =	sor.u32 s1, s0  }
0xc4: {  	s0 =	sadd.s32 $0x8F2B, s0  }
0xc5: {  	[sflag:s0] =	ssyncadd.remote.s32 $0x1  }
0xc6: {  	_ =	sfence.sel $0xFFFF  }
0xc7: {  	[dreg:$0x0] =	wrdreg $0xFFFFFFFF;
	(pc) =	sbr.abs _section_cstart, $3  }
0xc8: {  	[dreg:$0x1] =	wrdreg $0xFFFFFFFF  }
0xc9: {  	_ =	task.clear_ibuf [dreg:s7], $0x2FFFF;
	_ =	strace $0x9FFFFFFF  }
0xca: {  	(tm) =	ssettm $0x7FFFFFFF  }
0xcb: {  	_ =	shalt  }
tec
execute0_lowered:
.L_overlay_start_1:
0x0: {  	(tag) =	ssettag $0x1  }
0x1: {  	s0 =	rddreg [dreg:$0x0]  }
0x2: {  	s3 =	rddreg [dreg:$0x2]  }
0x3: {  	s4 =	rddreg [dreg:$0x3]  }
0x4: {  	s11 =	stileid.u32;
	s2 =	srdreg.scid  }
0x5: {  	s5 =	simm.s32 $0x0;
	s17 =	simm.s32 $0x4;
	s19 =	simm.s32 $0x400  }
0x6: {  	s20 =	simm.s32 $0x80;
	s21 =	simm.s32 $0x800;
	s22 =	simm.s32 $0x1  }
0x7: {  	s23 =	simm.s32 $0x600;
	s24 =	simm.s32 $0x1800;
	s25 =	simm.s32 $0x2  }
0x8: {  	s31 =	simm.s32 $0x3;
	s1 =	smul.u32 $0x1D4C0, s11;
	s2 =	sand.u32 $0x1, s2  }
0x9: {  	s8 =	smul.u32 $0x1D500, s11;
	[smem:$0x7FF] =	sst s5;
	s15 =	sadd.s32 $0x1E200, s0  }
0xa: {  	s14 =	sadd.s32 $0x3C200, s0;
	s28 =	sshll.u32 s11, $0x6;
	s29 =	smul.u32 $0x7800, s11  }
0xb: {  	s6 =	smul.u32 $0x1D5000, s2;
	_ =	strace $0x80000047;
	s9 =	sshll.u32 s2, $0x4  }
0xc: {  	s26 =	ssub.s32 $0x2, s2;
	s2 =	smul.u32 $0x78000, s2;
	s7 =	sshrl.u32 s1, $0x4  }
0xd: {  	s9 =	sor.u32 s11, s9;
	s10 =	sshrl.u32 s26, $0x1;
	s1 =	sshrl.u32 s1, $0x1  }
0xe: {  	s7 =	sadd.s32 s7, s0;
	s6 =	sadd.s32 s8, s6;
	s9 =	smul.u32 $0x7800, s9  }
0xf: {  	s13 =	ssub.s32 s26, s10;
	s1 =	sadd.s32 s1, s3;
	s8 =	sshrl.u32 s8, $0x1  }
0x10: {  	s2 =	sadd.s32 s29, s2;
	s6 =	sshrl.u32 s6, $0x4;
	s18 =	sadd.s32 s8, s4  }
0x11: {  	s2 =	sor.u32 $0x400, s2;
	s13 =	smax.u32 s13, $0x1;
	s16 =	sshrl.u32 s1, $0x3  }
0x12: {  	s0 =	sadd.s32 s6, s0;
	s6 =	sadd.s32 $0xC00, s7;
	s7 =	sor.u32 $0x1C04, s28  }
0x13: {  	s30 =	sshrl.u32 s9, $0x3;
	s2 =	sshrl.u32 s2, $0x3;
	s18 =	sshrl.u32 s18, $0x3  }
0x14: {  	s8 =	sadd.s32 s15, s30;
	s9 =	sadd.s32 s14, s30;
	s11 =	sor.u32 $0x40, s30  }
0x15: {  	s12 =	sadd.s32 $0x5A200, s0;
	s0 =	simm.s32 $0x0;
	s10 =	sadd.s32 s15, s11  }
0x16: {  	s11 =	sadd.s32 s14, s11;
	s14 =	sadd.s32 s2, s14;
	s15 =	sadd.s32 s2, s15  }
.LBB2_1:
0x17: {  	[spmem:s16], [sflag:s7] =	dma.local [hbm:s6], $0x1D4C  }
0x18: {  	_ =	swait.ge [sflag:s17], $0x1D4C  }
0x19: {  	[sflag:s17] =	ssyncset.done $0x0  }
0x1a: {  	[sflag:s17] =	ssyncadd.s32 $0xFFFFE2B4  }
0x1b: {  	s1 =	rddreg [dreg:$0x1]  }
0x1c: {  	[spmem:s18], [sflag:s7] =	dma.local [hbm:s1], $0x1D50  }
0x1d: {  	_ =	swait.ge [sflag:s17], $0x1D50  }
0x1e: {  	[sflag:s17] =	ssyncset.done $0x0  }
0x1f: {  	[sflag:s17] =	ssyncadd.s32 $0xFFFFE2B0  }
0x20: {  	[tilespmem:s5], [sflag:$0x4] =	stream.linear.gather [hbm4b:s8+s5], $0x200, $0x38;
	[tilespmem:$0x1FCE0] =	vst v63  }
0x21: {  	_ =	swait.ge [sflag:s17], $0x200  }
0x22: {  	[sflag:s17] =	ssyncset.done $0x0  }
0x23: {  	[sflag:s17] =	ssyncadd.s32 $0xFFFFFE00  }
0x24: {  	[tilespmem:s19], [sflag:$0x4] =	stream.linear.gather [hbm4b:s9+s5], $0x200, $0x38;
	[tilespmem:$0x1FCE0] =	vst v63  }
0x25: {  	_ =	swait.ge [sflag:s17], $0x200  }
0x26: {  	[sflag:s17] =	ssyncset.done $0x0  }
0x27: {  	[sflag:s17] =	ssyncadd.s32 $0xFFFFFE00  }
0x28: {  	[bflag:$0x0] =	sbarrier.arrive $0xFFFF  }
0x29: {  	[tilespmem:s21], [sflag:$0x1] =	stream.indirect.gather [spmem:s3], $0x20, s5, s20, $0xb8;
	[tilespmem:$0x1FCE0] =	vst v63  }
0x2a: {  	_ =	swait.ge [sflag:s22], $0x1000  }
0x2b: {  	[sflag:s22] =	ssyncset.done $0x0  }
0x2c: {  	s1 =	simm.s32 $0x200;
	[sflag:s22] =	ssyncadd.s32 $0xFFFFF000  }
0x2d: {  	[tilespmem:s1], [sflag:$0x3] =	stream.linear.gather [hbm4b:s10+s5], $0x200, $0x38;
	[tilespmem:$0x1FCE0] =	vst v63  }
0x2e: {  	_ = 	snop  }
0x2f: {  	[tilespmem:s23], [sflag:$0x3] =	stream.linear.gather [hbm4b:s11+s5], $0x200, $0x38;
	[tilespmem:$0x1FCE0] =	vst v63  }
0x30: {  	_ = 	snop  }
0x31: {  	[tilespmem:s24], [sflag:$0x1] =	stream.indirect.gather [spmem:s3], $0x20, s20, s20, $0xb8;
	[tilespmem:$0x1FCE0] =	vst v63  }
0x32: {  	_ = 	snop  }
0x33: {  	[spmem:s4] =	stream.indirect.scatter.add.bf16 [tilespmem:s21], [sflag:$0x2], $0x20, s19, s20, $0xb8;
	[tilespmem:$0x1FCE0] =	vst v63  }
0x34: {  	_ =	swait.ge [sflag:s22], $0x1000  }
0x35: {  	[sflag:s22] =	ssyncset.done $0x0  }
0x36: {  	[sflag:s22] =	ssyncadd.s32 $0xFFFFF000  }
0x37: {  	_ =	swait.ge [sflag:s25], $0x1000  }
0x38: {  	[sflag:s25] =	ssyncset.done $0x0  }
0x39: {  	s2 =	simm.s32 $0x100;
	[sflag:s25] =	ssyncadd.s32 $0xFFFFF000  }
0x3a: {  	[tilespmem:s21], [sflag:$0x1] =	stream.indirect.gather [spmem:s3], $0x20, s2, s20, $0xb8;
	[tilespmem:$0x1FCE0] =	vst v63  }
0x3b: {  	s26 =	simm.s32 $0x480  }
0x3c: {  	[spmem:s4] =	stream.indirect.scatter.add.bf16 [tilespmem:s24], [sflag:$0x2], $0x20, s26, s20, $0xb8;
	[tilespmem:$0x1FCE0] =	vst v63  }
0x3d: {  	_ =	swait.ge [sflag:s22], $0x1000  }
0x3e: {  	[sflag:s22] =	ssyncset.done $0x0  }
0x3f: {  	[sflag:s22] =	ssyncadd.s32 $0xFFFFF000  }
0x40: {  	_ =	swait.ge [sflag:s25], $0x1000  }
0x41: {  	[sflag:s25] =	ssyncset.done $0x0  }
0x42: {  	s29 =	simm.s32 $0x180;
	[sflag:s25] =	ssyncadd.s32 $0xFFFFF000  }
0x43: {  	[tilespmem:s24], [sflag:$0x1] =	stream.indirect.gather [spmem:s3], $0x20, s29, s20, $0xb8;
	[tilespmem:$0x1FCE0] =	vst v63  }
0x44: {  	s30 =	simm.s32 $0x500  }
0x45: {  	[spmem:s4] =	stream.indirect.scatter.add.bf16 [tilespmem:s21], [sflag:$0x2], $0x20, s30, s20, $0xb8;
	[tilespmem:$0x1FCE0] =	vst v63  }
0x46: {  	_ =	swait.ge [sflag:s22], $0x1000  }
0x47: {  	[sflag:s22] =	ssyncset.done $0x0  }
0x48: {  	[sflag:s22] =	ssyncadd.s32 $0xFFFFF000  }
0x49: {  	_ =	swait.ge [sflag:s25], $0x1000  }
0x4a: {  	[sflag:s25] =	ssyncset.done $0x0  }
0x4b: {  	[sflag:s25] =	ssyncadd.s32 $0xFFFFF000  }
0x4c: {  	_ =	swait.ge [sflag:s31], $0x200  }
0x4d: {  	[sflag:s31] =	ssyncset.done $0x0  }
0x4e: {  	[sflag:s31] =	ssyncadd.s32 $0xFFFFFE00  }
0x4f: {  	_ =	swait.ge [sflag:s31], $0x200  }
0x50: {  	[sflag:s31] =	ssyncset.done $0x0  }
0x51: {  	[sflag:s31] =	ssyncadd.s32 $0xFFFFFE00  }
0x52: {  	[tilespmem:s21], [sflag:$0x1] =	stream.indirect.gather [spmem:s3], $0x20, s1, s20, $0xb8;
	[tilespmem:$0x1FCE0] =	vst v63  }
0x53: {  	s26 =	simm.s32 $0x580  }
0x54: {  	[spmem:s4] =	stream.indirect.scatter.add.bf16 [tilespmem:s24], [sflag:$0x2], $0x20, s26, s20, $0xb8;
	[tilespmem:$0x1FCE0] =	vst v63  }
0x55: {  	_ =	swait.ge [sflag:s22], $0x1000  }
0x56: {  	[sflag:s22] =	ssyncset.done $0x0  }
0x57: {  	[sflag:s22] =	ssyncadd.s32 $0xFFFFF000  }
0x58: {  	_ =	swait.ge [sflag:s25], $0x1000  }
0x59: {  	s2 =	sand.u32 $0x200, s1;
	[sflag:s25] =	ssyncset.done $0x0  }
0x5a: {  	s1 =	sxor.u32 $0x200, s2;
	[sflag:s25] =	ssyncadd.s32 $0xFFFFF000  }
0x5b: {  	[tilespmem:s1], [sflag:$0x3] =	stream.linear.gather [hbm4b:s15+s5], $0x200, $0x38;
	[tilespmem:$0x1FCE0] =	vst v63  }
0x5c: {  	s26 =	sxor.u32 $0x600, s2  }
0x5d: {  	[tilespmem:s26], [sflag:$0x3] =	stream.linear.gather [hbm4b:s14+s5], $0x200, $0x38;
	[tilespmem:$0x1FCE0] =	vst v63  }
0x5e: {  	s29 =	sor.u32 $0x80, s2  }
0x5f: {  	[tilespmem:s24], [sflag:$0x1] =	stream.indirect.gather [spmem:s3], $0x20, s29, s20, $0xb8;
	[tilespmem:$0x1FCE0] =	vst v63  }
0x60: {  	s30 =	sor.u32 $0x400, s2  }
0x61: {  	[spmem:s4] =	stream.indirect.scatter.add.bf16 [tilespmem:s21], [sflag:$0x2], $0x20, s30, s20, $0xb8;
	[tilespmem:$0x1FCE0] =	vst v63  }
0x62: {  	_ =	swait.ge [sflag:s22], $0x1000  }
0x63: {  	[sflag:s22] =	ssyncset.done $0x0  }
0x64: {  	[sflag:s22] =	ssyncadd.s32 $0xFFFFF000  }
0x65: {  	_ =	swait.ge [sflag:s25], $0x1000  }
0x66: {  	[sflag:s25] =	ssyncset.done $0x0  }
0x67: {  	s29 =	sor.u32 $0x100, s2;
	[sflag:s25] =	ssyncadd.s32 $0xFFFFF000  }
0x68: {  	[tilespmem:s21], [sflag:$0x1] =	stream.indirect.gather [spmem:s3], $0x20, s29, s20, $0xb8;
	[tilespmem:$0x1FCE0] =	vst v63  }
0x69: {  	s30 =	sor.u32 $0x480, s2  }
0x6a: {  	[spmem:s4] =	stream.indirect.scatter.add.bf16 [tilespmem:s24], [sflag:$0x2], $0x20, s30, s20, $0xb8;
	[tilespmem:$0x1FCE0] =	vst v63  }
0x6b: {  	_ =	swait.ge [sflag:s22], $0x1000  }
0x6c: {  	[sflag:s22] =	ssyncset.done $0x0  }
0x6d: {  	[sflag:s22] =	ssyncadd.s32 $0xFFFFF000  }
0x6e: {  	_ =	swait.ge [sflag:s25], $0x1000  }
0x6f: {  	[sflag:s25] =	ssyncset.done $0x0  }
0x70: {  	s29 =	sor.u32 $0x180, s2;
	[sflag:s25] =	ssyncadd.s32 $0xFFFFF000  }
0x71: {  	[tilespmem:s24], [sflag:$0x1] =	stream.indirect.gather [spmem:s3], $0x20, s29, s20, $0xb8;
	[tilespmem:$0x1FCE0] =	vst v63  }
0x72: {  	s30 =	sor.u32 $0x500, s2  }
0x73: {  	[spmem:s4] =	stream.indirect.scatter.add.bf16 [tilespmem:s21], [sflag:$0x2], $0x20, s30, s20, $0xb8;
	[tilespmem:$0x1FCE0] =	vst v63  }
0x74: {  	_ =	swait.ge [sflag:s22], $0x1000  }
0x75: {  	[sflag:s22] =	ssyncset.done $0x0  }
0x76: {  	[sflag:s22] =	ssyncadd.s32 $0xFFFFF000  }
0x77: {  	_ =	swait.ge [sflag:s25], $0x1000  }
0x78: {  	[sflag:s25] =	ssyncset.done $0x0  }
0x79: {  	[sflag:s25] =	ssyncadd.s32 $0xFFFFF000  }
0x7a: {  	_ =	swait.ge [sflag:s31], $0x200  }
0x7b: {  	[sflag:s31] =	ssyncset.done $0x0  }
0x7c: {  	[sflag:s31] =	ssyncadd.s32 $0xFFFFFE00  }
0x7d: {  	_ =	swait.ge [sflag:s31], $0x200  }
0x7e: {  	[sflag:s31] =	ssyncset.done $0x0  }
0x7f: {  	s28 =	sor.u32 $0x580, s2;
	[sflag:s31] =	ssyncadd.s32 $0xFFFFFE00  }
0x80: {  	[tilespmem:s21], [sflag:$0x1] =	stream.indirect.gather [spmem:s3], $0x20, s1, s20, $0xb8;
	[tilespmem:$0x1FCE0] =	vst v63  }
0x81: {  	s26 =	sadd.s32 $0x40, s15;
	s2 =	sadd.s32 $0x40, s14;
	s1 =	simm.s32 $0x400  }
.LBB2_2:
0x82: {  	[spmem:s4] =	stream.indirect.scatter.add.bf16 [tilespmem:s24], [sflag:$0x2], $0x20, s28, s20, $0xb8;
	[tilespmem:$0x1FCE0] =	vst v63  }
0x83: {  	s28 =	smov.u32 s1  }
0x84: {  	p0 =	sne.s32 s1, $0x7400;
	s1 =	sadd.s32 $0x200, s1;
	_ =	swait.ge [sflag:s22], $0x1000  }
0x85: {  	[sflag:s22] =	ssyncset.done $0x0  }
0x86: {  	[sflag:s22] =	ssyncadd.s32 $0xFFFFF000  }
0x87: {  	_ =	swait.ge [sflag:s25], $0x1000  }
0x88: {  	s28 =	sand.u32 $0x200, s28;
	[sflag:s25] =	ssyncset.done $0x0  }
0x89: {  	s29 =	sxor.u32 $0x200, s28;
	[sflag:s25] =	ssyncadd.s32 $0xFFFFF000  }
0x8a: {  	[tilespmem:s29], [sflag:$0x3] =	stream.linear.gather [hbm4b:s26+s5], $0x200, $0x38;
	[tilespmem:$0x1FCE0] =	vst v63  }
0x8b: {  	s30 =	sxor.u32 $0x600, s28  }
0x8c: {  	[tilespmem:s30], [sflag:$0x3] =	stream.linear.gather [hbm4b:s2+s5], $0x200, $0x38;
	[tilespmem:$0x1FCE0] =	vst v63  }
0x8d: {  	s30 =	sor.u32 $0x80, s28  }
0x8e: {  	[tilespmem:s24], [sflag:$0x1] =	stream.indirect.gather [spmem:s3], $0x20, s30, s20, $0xb8;
	[tilespmem:$0x1FCE0] =	vst v63  }
0x8f: {  	s30 =	sor.u32 $0x400, s28  }
0x90: {  	[spmem:s4] =	stream.indirect.scatter.add.bf16 [tilespmem:s21], [sflag:$0x2], $0x20, s30, s20, $0xb8;
	[tilespmem:$0x1FCE0] =	vst v63  }
0x91: {  	_ =	swait.ge [sflag:s22], $0x1000  }
0x92: {  	[sflag:s22] =	ssyncset.done $0x0  }
0x93: {  	[sflag:s22] =	ssyncadd.s32 $0xFFFFF000  }
0x94: {  	_ =	swait.ge [sflag:s25], $0x1000  }
0x95: {  	[sflag:s25] =	ssyncset.done $0x0  }
0x96: {  	s30 =	sor.u32 $0x100, s28;
	[sflag:s25] =	ssyncadd.s32 $0xFFFFF000  }
0x97: {  	[tilespmem:s21], [sflag:$0x1] =	stream.indirect.gather [spmem:s3], $0x20, s30, s20, $0xb8;
	[tilespmem:$0x1FCE0] =	vst v63  }
0x98: {  	s30 =	sor.u32 $0x480, s28  }
0x99: {  	[spmem:s4] =	stream.indirect.scatter.add.bf16 [tilespmem:s24], [sflag:$0x2], $0x20, s30, s20, $0xb8;
	[tilespmem:$0x1FCE0] =	vst v63  }
0x9a: {  	_ =	swait.ge [sflag:s22], $0x1000  }
0x9b: {  	[sflag:s22] =	ssyncset.done $0x0  }
0x9c: {  	[sflag:s22] =	ssyncadd.s32 $0xFFFFF000  }
0x9d: {  	_ =	swait.ge [sflag:s25], $0x1000  }
0x9e: {  	[sflag:s25] =	ssyncset.done $0x0  }
0x9f: {  	s30 =	sor.u32 $0x180, s28;
	[sflag:s25] =	ssyncadd.s32 $0xFFFFF000  }
0xa0: {  	[tilespmem:s24], [sflag:$0x1] =	stream.indirect.gather [spmem:s3], $0x20, s30, s20, $0xb8;
	[tilespmem:$0x1FCE0] =	vst v63  }
0xa1: {  	s30 =	sor.u32 $0x500, s28  }
0xa2: {  	[spmem:s4] =	stream.indirect.scatter.add.bf16 [tilespmem:s21], [sflag:$0x2], $0x20, s30, s20, $0xb8;
	[tilespmem:$0x1FCE0] =	vst v63  }
0xa3: {  	_ =	swait.ge [sflag:s22], $0x1000  }
0xa4: {  	[sflag:s22] =	ssyncset.done $0x0  }
0xa5: {  	[sflag:s22] =	ssyncadd.s32 $0xFFFFF000  }
0xa6: {  	_ =	swait.ge [sflag:s25], $0x1000  }
0xa7: {  	[sflag:s25] =	ssyncset.done $0x0  }
0xa8: {  	[sflag:s25] =	ssyncadd.s32 $0xFFFFF000  }
0xa9: {  	_ =	swait.ge [sflag:s31], $0x200  }
0xaa: {  	[sflag:s31] =	ssyncset.done $0x0  }
0xab: {  	[sflag:s31] =	ssyncadd.s32 $0xFFFFFE00  }
.Ltmp0:
0xac: {  	_ =	swait.ge [sflag:s31], $0x200;
	(pc) =	sbr.rel @p0 .LBB2_2-.Ltmp0, $4  }
0xad: {  	[sflag:s31] =	ssyncset.done $0x0  }
0xae: {  	[sflag:s31] =	ssyncadd.s32 $0xFFFFFE00  }
0xaf: {  	[tilespmem:s21], [sflag:$0x1] =	stream.indirect.gather [spmem:s3], $0x20, s29, s20, $0xb8;
	[tilespmem:$0x1FCE0] =	vst v63  }
0xb0: {  	s26 =	sadd.s32 $0x40, s26;
	s2 =	sadd.s32 $0x40, s2;
	s28 =	sor.u32 $0x580, s28  }
0xb1: {  	[spmem:s4] =	stream.indirect.scatter.add.bf16 [tilespmem:s24], [sflag:$0x2], $0x20, s28, s20, $0xb8;
	[tilespmem:$0x1FCE0] =	vst v63  }
0xb2: {  	_ =	swait.ge [sflag:s22], $0x1000  }
0xb3: {  	[sflag:s22] =	ssyncset.done $0x0  }
0xb4: {  	[sflag:s22] =	ssyncadd.s32 $0xFFFFF000  }
0xb5: {  	_ =	swait.ge [sflag:s25], $0x1000  }
0xb6: {  	[sflag:s25] =	ssyncset.done $0x0  }
0xb7: {  	s1 =	simm.s32 $0x280;
	[sflag:s25] =	ssyncadd.s32 $0xFFFFF000  }
0xb8: {  	[tilespmem:s24], [sflag:$0x1] =	stream.indirect.gather [spmem:s3], $0x20, s1, s20, $0xb8;
	[tilespmem:$0x1FCE0] =	vst v63  }
0xb9: {  	_ = 	snop  }
0xba: {  	[spmem:s4] =	stream.indirect.scatter.add.bf16 [tilespmem:s21], [sflag:$0x2], $0x20, s23, s20, $0xb8;
	[tilespmem:$0x1FCE0] =	vst v63  }
0xbb: {  	_ =	swait.ge [sflag:s22], $0x1000  }
0xbc: {  	[sflag:s22] =	ssyncset.done $0x0  }
0xbd: {  	[sflag:s22] =	ssyncadd.s32 $0xFFFFF000  }
0xbe: {  	_ =	swait.ge [sflag:s25], $0x1000  }
0xbf: {  	[sflag:s25] =	ssyncset.done $0x0  }
0xc0: {  	s2 =	simm.s32 $0x300;
	[sflag:s25] =	ssyncadd.s32 $0xFFFFF000  }
0xc1: {  	[tilespmem:s21], [sflag:$0x1] =	stream.indirect.gather [spmem:s3], $0x20, s2, s20, $0xb8;
	[tilespmem:$0x1FCE0] =	vst v63  }
0xc2: {  	s26 =	simm.s32 $0x680  }
0xc3: {  	[spmem:s4] =	stream.indirect.scatter.add.bf16 [tilespmem:s24], [sflag:$0x2], $0x20, s26, s20, $0xb8;
	[tilespmem:$0x1FCE0] =	vst v63  }
0xc4: {  	_ =	swait.ge [sflag:s22], $0x1000  }
0xc5: {  	[sflag:s22] =	ssyncset.done $0x0  }
0xc6: {  	[sflag:s22] =	ssyncadd.s32 $0xFFFFF000  }
0xc7: {  	_ =	swait.ge [sflag:s25], $0x1000  }
0xc8: {  	[sflag:s25] =	ssyncset.done $0x0  }
0xc9: {  	s28 =	simm.s32 $0x380;
	[sflag:s25] =	ssyncadd.s32 $0xFFFFF000  }
0xca: {  	[tilespmem:s24], [sflag:$0x1] =	stream.indirect.gather [spmem:s3], $0x20, s28, s20, $0xb8;
	[tilespmem:$0x1FCE0] =	vst v63  }
0xcb: {  	s29 =	simm.s32 $0x700  }
0xcc: {  	[spmem:s4] =	stream.indirect.scatter.add.bf16 [tilespmem:s21], [sflag:$0x2], $0x20, s29, s20, $0xb8;
	[tilespmem:$0x1FCE0] =	vst v63  }
0xcd: {  	_ =	swait.ge [sflag:s22], $0x1000  }
0xce: {  	[sflag:s22] =	ssyncset.done $0x0  }
0xcf: {  	[sflag:s22] =	ssyncadd.s32 $0xFFFFF000  }
0xd0: {  	_ =	swait.ge [sflag:s25], $0x1000  }
0xd1: {  	[sflag:s25] =	ssyncset.done $0x0  }
0xd2: {  	s30 =	simm.s32 $0x780;
	[sflag:s25] =	ssyncadd.s32 $0xFFFFF000  }
0xd3: {  	[spmem:s4] =	stream.indirect.scatter.add.bf16 [tilespmem:s24], [sflag:$0x2], $0x20, s30, s20, $0xb8;
	[tilespmem:$0x1FCE0] =	vst v63  }
0xd4: {  	_ =	swait.ge [sflag:s25], $0x1000  }
0xd5: {  	s0 =	sadd.s32 $0x1, s0;
	[sflag:s25] =	ssyncset.done $0x0  }
0xd6: {  	p0 =	sne.s32 s0, s13;
	[sflag:s25] =	ssyncadd.s32 $0xFFFFF000  }
.Ltmp1:
0xd7: {  	[bflag:$0x0] =	sbarrier.arrive $0xFFFF;
	(pc) =	sbr.rel @p0 .LBB2_1-.Ltmp1, $4  }
0xd8: {  	[hbm:s12], [sflag:s7] =	dma.local [spmem:s18], $0x1D50  }
0xd9: {  	_ =	swait.ge [sflag:s17], $0x1D50  }
0xda: {  	[sflag:s17] =	ssyncset.done $0x0  }
0xdb: {  	[sflag:s17] =	ssyncadd.s32 $0xFFFFE2B0  }
0xdc: {  	_ =	sfence.sel $0x180000  }
0xdd: {  	[bflag:$0x0] =	sbarrier.arrive $0xFFFF  }
0xde: {  	_ =	strace $0x90000047  }
0xdf: {  	s0 =	stileid.u32;
	[bflag:$0x2] =	sbarrier.arrive $0xFFFF  }
0xe0: {  	p0 =	sne.s32 s0, $0x0;
	s0 =	rddreg [dreg:$0x4]  }
0xe1: {  	s0 =	sadd.s32 @!p0 $0x100000, s0  }
0xe2: {  	[sflag:s0] =	ssyncadd.tile.s32 @!p0 $0x1;
	_ =	shalt  }
.Lfunc_end2:
_tile_overlayer_lowered:
.L_overlay_start_2:
0xe3: {  	(tag) =	ssettag $0x2  }
0xe4: {  	s0 =	rddreg [dreg:$0x0];
	s2 =	stileid.u32  }
0xe5: {  	s1 =	rddreg [dreg:$0x1];
	p0 =	sne.s32 s2, $0x0  }
0xe6: {  	s3 =	rddreg [dreg:$0x2];
	[bflag:$0x3] =	sbarrier.arrive $0xFFFF;
	s2 =	simm.s32 @!p0 $0x1C04  }
0xe7: {  	[timem:s3], [sflag:s2] =	dma.local @!p0 [hbm:s0], s1  }
0xe8: {  	s0 =	simm.s32 @!p0 $0x4  }
0xe9: {  	_ =	swait.ge @!p0 [sflag:s0], s1  }
0xea: {  	s1 =	ssub.s32 @!p0 $0x0, s1;
	[sflag:s0] =	ssyncset.done @!p0 $0x0  }
0xeb: {  	[sflag:s0] =	ssyncadd.s32 @!p0 s1  }
0xec: {  	[bflag:$0x3] =	sbarrier.arrive $0xFFFF  }
0xed: {  	_ =	shalt  }

</sc_bundles>
